<compile_context>
chip_gen: v7x
topology: tpu7x:2x2x1
jax: 0.10.2.dev20260603
libtpu: 0.0.44.dev20260713+nightly
codegen_flags: <defaults>
</compile_context>

<pallas_src>
import functools

import jax
import jax.numpy as jnp
from jax import lax
from jax.experimental import pallas as pl
from jax.experimental.pallas import tpu as pltpu
from jax.experimental.pallas import tpu_sc as plsc

N_NODES = 10000
N_EDGES = 320000
D_FEAT = 128
N_ANS = 1000

NC = 2
NS = 16
NW = NC * NS
B = 128
NBW = 80
BT = NW * NBW
TOT = BT * B
BA = 64
NBWA = NBW * (B // BA)
CHA = 40
NCHA = NBWA // CHA
R = N_NODES + 112
RPT = R // NS


def _deg_body(dst_hbm, ones_hbm, zeros_hbm, out0, out1, dstv, onesv, dacc,
              sem):
    cid = lax.axis_index("c")
    sid = lax.axis_index("s")
    wid = cid * NS + sid
    pltpu.sync_copy(dst_hbm.at[pl.ds(wid * NBW, NBW)], dstv)
    pltpu.sync_copy(ones_hbm, onesv)

    @pl.when(sid == 0)
    def _():
        pltpu.sync_copy(zeros_hbm, dacc)

    plsc.subcore_barrier()

    def fire(j, carry):
        pltpu.async_copy(onesv, dacc.at[dstv.at[j]], sem, add=True)
        return carry

    lax.fori_loop(0, NBW, fire, 0)

    def drain(j, carry):
        pltpu.make_async_copy(onesv, dacc.at[dstv.at[j]], sem).wait()
        return carry

    lax.fori_loop(0, NBW, drain, 0)
    plsc.subcore_barrier()

    @pl.when(jnp.logical_and(sid == 0, cid == 0))
    def _():
        pltpu.sync_copy(dacc, out0)

    @pl.when(jnp.logical_and(sid == 0, cid == 1))
    def _():
        pltpu.sync_copy(dacc, out1)


def _agg_body(src_hbm, dst_hbm, xs_hbm, out_hbm,
              srcv, dstv, buf0, buf1, buf2, buf3, acc,
              sem0, sem1, sem2, sem3):
    cid = lax.axis_index("c")
    sid = lax.axis_index("s")
    wid = cid * NS + sid
    row0 = sid * RPT
    bufs = (buf0, buf1, buf2, buf3)
    sems = (sem0, sem1, sem2, sem3)

    def zrow(r, carry):
        for g in range(D_FEAT // 16):
            buf0[r, pl.ds(g * 16, 16)] = jnp.zeros((16,), jnp.float32)
        return carry

    lax.fori_loop(0, BA, zrow, 0)
    for k in range(RPT // BA):
        pltpu.sync_copy(buf0, acc.at[pl.ds(row0 + k * BA, BA)])
    rem = RPT - (RPT // BA) * BA
    if rem:
        pltpu.sync_copy(buf0.at[pl.ds(0, rem)],
                        acc.at[pl.ds(row0 + RPT - rem, rem)])

    plsc.subcore_barrier()

    def chunk(c, carry):
        off = pl.multiple_of(wid * NBWA + c * CHA, 8)
        pltpu.sync_copy(src_hbm.at[pl.ds(off, CHA)], srcv)
        pltpu.sync_copy(dst_hbm.at[pl.ds(off, CHA)], dstv)
        for k in range(4):
            pltpu.async_copy(xs_hbm.at[srcv.at[k]], bufs[k], sems[k])

        def body(i, carry2):
            j = i * 4
            for k in range(4):
                pltpu.make_async_copy(xs_hbm.at[srcv.at[j + k]], bufs[k],
                                      sems[k]).wait()
                pltpu.sync_copy(bufs[k], acc.at[dstv.at[j + k]], add=True)
                pltpu.async_copy(xs_hbm.at[srcv.at[j + k + 4]], bufs[k],
                                 sems[k])
            return carry2

        lax.fori_loop(0, CHA // 4 - 1, body, 0)
        j0 = CHA - 4
        for k in range(4):
            pltpu.make_async_copy(xs_hbm.at[srcv.at[j0 + k]], bufs[k],
                                  sems[k]).wait()
            pltpu.sync_copy(bufs[k], acc.at[dstv.at[j0 + k]], add=True)
        return carry

    lax.fori_loop(0, NCHA, chunk, 0)
    plsc.subcore_barrier()
    pltpu.sync_copy(acc.at[pl.ds(row0, RPT)],
                    out_hbm.at[cid, pl.ds(row0, RPT)])


@functools.lru_cache(maxsize=None)
def _sc_kernels():
    mesh = plsc.VectorSubcoreMesh(core_axis_name="c", subcore_axis_name="s",
                                  num_cores=NC, num_subcores=NS)
    deg_k = pl.kernel(
        _deg_body,
        out_type=(jax.ShapeDtypeStruct((R,), jnp.float32),
                  jax.ShapeDtypeStruct((R,), jnp.float32)),
        mesh=mesh,
        scratch_types=[
            pltpu.VMEM((NBW, B), jnp.int32),
            pltpu.VMEM((B,), jnp.float32),
            pltpu.VMEM_SHARED((R,), jnp.float32),
            pltpu.SemaphoreType.DMA,
        ],
    )
    agg_k = pl.kernel(
        _agg_body,
        out_type=jax.ShapeDtypeStruct((NC, R, D_FEAT), jnp.float32),
        mesh=mesh,
        scratch_types=[
            pltpu.VMEM((CHA, BA), jnp.int32),
            pltpu.VMEM((CHA, BA), jnp.int32),
            pltpu.VMEM((BA, D_FEAT), jnp.float32),
            pltpu.VMEM((BA, D_FEAT), jnp.float32),
            pltpu.VMEM((BA, D_FEAT), jnp.float32),
            pltpu.VMEM((BA, D_FEAT), jnp.float32),
            pltpu.VMEM_SHARED((R, D_FEAT), jnp.float32),
            pltpu.SemaphoreType.DMA,
            pltpu.SemaphoreType.DMA,
            pltpu.SemaphoreType.DMA,
            pltpu.SemaphoreType.DMA,
        ],
    )
    return deg_k, agg_k


def _scale_body(x_ref, d0_ref, d1_ref, o_ref):
    deg = d0_ref[...] + d1_ref[...]
    inv = lax.rsqrt(jnp.maximum(deg, 1.0))
    o_ref[...] = x_ref[...] * inv


def _scale_x(x, d0, d1):
    nblk = 10
    rows = N_NODES // nblk
    return pl.pallas_call(
        _scale_body,
        grid=(nblk,),
        in_specs=[
            pl.BlockSpec((rows, D_FEAT), lambda j: (j, 0)),
            pl.BlockSpec((rows, 1), lambda j: (j, 0)),
            pl.BlockSpec((rows, 1), lambda j: (j, 0)),
        ],
        out_specs=pl.BlockSpec((rows, D_FEAT), lambda j: (j, 0)),
        out_shape=jax.ShapeDtypeStruct((N_NODES, D_FEAT), jnp.float32),
    )(x, d0, d1)


def _final_body(p0_ref, p1_ref, d0_ref, d1_ref, w_ref, bg_ref,
                w1_ref, b1_ref, w2_ref, b2_ref, o_ref, acc_ref, *, nblk):
    j = pl.program_id(0)
    deg = d0_ref[...] + d1_ref[...]
    inv = lax.rsqrt(jnp.maximum(deg, 1.0))
    agg = (p0_ref[...] + p1_ref[...]) * inv
    h = jnp.maximum(jnp.dot(agg, w_ref[...],
                            preferred_element_type=jnp.float32)
                    + bg_ref[...], 0.0)
    s = jnp.sum(h, axis=0, keepdims=True)

    @pl.when(j == 0)
    def _():
        acc_ref[0:1, :] = s

    @pl.when(j > 0)
    def _():
        acc_ref[0:1, :] = acc_ref[0:1, :] + s

    @pl.when(j == nblk - 1)
    def _():
        pooled = acc_ref[0:1, :] * (1.0 / N_NODES)
        z = jnp.dot(pooled, w1_ref[...],
                    preferred_element_type=jnp.float32) + b1_ref[...]
        z = jnp.dot(z, w2_ref[...],
                    preferred_element_type=jnp.float32) + b2_ref[...]
        m = jnp.max(z)
        lse = m + jnp.log(jnp.sum(jnp.exp(z - m)))
        o_ref[...] = z - lse


def _final(p0, p1, d0, d1, W_gcn, b_gcn, W_fuse1, b_fuse1, W_fuse2, b_fuse2):
    nblk = 10
    rows = N_NODES // nblk
    return pl.pallas_call(
        functools.partial(_final_body, nblk=nblk),
        grid=(nblk,),
        in_specs=[
            pl.BlockSpec((rows, D_FEAT), lambda j: (j, 0)),
            pl.BlockSpec((rows, D_FEAT), lambda j: (j, 0)),
            pl.BlockSpec((rows, 1), lambda j: (j, 0)),
            pl.BlockSpec((rows, 1), lambda j: (j, 0)),
            pl.BlockSpec((D_FEAT, D_FEAT), lambda j: (0, 0)),
            pl.BlockSpec((1, D_FEAT), lambda j: (0, 0)),
            pl.BlockSpec((D_FEAT, N_ANS), lambda j: (0, 0)),
            pl.BlockSpec((1, N_ANS), lambda j: (0, 0)),
            pl.BlockSpec((N_ANS, N_ANS), lambda j: (0, 0)),
            pl.BlockSpec((1, N_ANS), lambda j: (0, 0)),
        ],
        out_specs=pl.BlockSpec((1, N_ANS), lambda j: (0, 0)),
        out_shape=jax.ShapeDtypeStruct((1, N_ANS), jnp.float32),
        scratch_shapes=[pltpu.VMEM((8, D_FEAT), jnp.float32)],
    )(p0, p1, d0, d1, W_gcn, b_gcn, W_fuse1, b_fuse1, W_fuse2, b_fuse2)


def kernel(x, edge_index, W_gcn, b_gcn, W_fuse1, b_fuse1, W_fuse2, b_fuse2):
    src = edge_index[0].astype(jnp.int32)
    dst = edge_index[1].astype(jnp.int32)
    pad = TOT - N_EDGES
    srcp = jnp.concatenate([src, jnp.arange(pad, dtype=jnp.int32) % N_NODES])
    trash = N_NODES + jnp.arange(pad, dtype=jnp.int32) % (R - N_NODES)
    dstp = jnp.concatenate([dst, trash])
    src_a = srcp.reshape(TOT // BA, BA)
    dst_a = dstp.reshape(TOT // BA, BA)
    dst_b = dstp.reshape(BT, B)

    ones_deg = jnp.ones((B,), jnp.float32)
    zeros_deg = jnp.zeros((R,), jnp.float32)

    deg_kernel, agg_kernel = _sc_kernels()
    d0g, d1g = deg_kernel(dst_b, ones_deg, zeros_deg)
    d0 = d0g.reshape(R, 1)
    d1 = d1g.reshape(R, 1)

    xs = _scale_x(x, d0, d1)

    aggp = agg_kernel(src_a, dst_a, xs)

    return _final(aggp[0], aggp[1], d0, d1,
                  W_gcn, b_gcn.reshape(1, D_FEAT),
                  W_fuse1, b_fuse1.reshape(1, N_ANS),
                  W_fuse2, b_fuse2.reshape(1, N_ANS))

# --- scband reference (transcript-rebuilt; emitter-appended) ---
"""Pipeline reference for scband-multi-gcn-57690000720658 (READ-ONLY COPY).

The authoritative reference and input builder live on the scoring server;
editing this copy changes nothing except your own understanding.
"""

import jax, jax.numpy as jnp
import numpy as np

N_NODES = 10000
N_EDGES = 320000
D_FEAT = 128
N_ANS = 1000


def setup_inputs(seed: int = 0) -> dict:
    key = jax.random.key(seed)
    ks = [jax.random.fold_in(key, i) for i in range(8)]
    x = jax.random.normal(ks[0], (N_NODES, D_FEAT), dtype=jnp.float32)
    edge_index = jax.random.randint(ks[1], (2, N_EDGES), 0, N_NODES, dtype=jnp.int64)
    W_gcn = jax.random.normal(ks[2], (D_FEAT, D_FEAT), dtype=jnp.float32) / np.sqrt(D_FEAT)
    b_gcn = jnp.zeros((D_FEAT,), dtype=jnp.float32)
    W_fuse1 = jax.random.normal(ks[3], (D_FEAT, N_ANS), dtype=jnp.float32) / np.sqrt(D_FEAT)
    b_fuse1 = jnp.zeros((N_ANS,), dtype=jnp.float32)
    W_fuse2 = jax.random.normal(ks[4], (N_ANS, N_ANS), dtype=jnp.float32) / np.sqrt(N_ANS)
    b_fuse2 = jnp.zeros((N_ANS,), dtype=jnp.float32)
    return {"x": x, "edge_index": edge_index, "W_gcn": W_gcn, "b_gcn": b_gcn,
            "W_fuse1": W_fuse1, "b_fuse1": b_fuse1, "W_fuse2": W_fuse2, "b_fuse2": b_fuse2}


def _gcn_layer(x, edge_index, W, b):
    n = x.shape[0]
    src = edge_index[0]
    dst = edge_index[1]
    deg = jnp.zeros((n,), dtype=jnp.float32).at[dst].add(1.0)
    deg = jnp.maximum(deg, 1.0)
    inv_sqrt_deg = 1.0 / jnp.sqrt(deg)
    norm = inv_sqrt_deg[src] * inv_sqrt_deg[dst]
    msgs = x[src] * norm[:, None]
    agg = jnp.zeros_like(x).at[dst].add(msgs)
    h = agg @ W + b
    return jax.nn.relu(h)


def reference(x, edge_index, W_gcn, b_gcn, W_fuse1, b_fuse1, W_fuse2, b_fuse2):
    h = _gcn_layer(x, edge_index, W_gcn, b_gcn)
    pooled = jnp.mean(h, axis=0, keepdims=True)  # global mean pool -> graph feature
    z = pooled @ W_fuse1 + b_fuse1
    z = z @ W_fuse2 + b_fuse2
    return jax.nn.log_softmax(z, axis=1)

if __name__ == "__main__":
    import jax
    _d = setup_inputs()
    print(jax.jit(kernel)(*tuple(_d.values())))

</pallas_src>

<mosaic_0001>
#map = affine_map<(d0, d1) -> (0, 0)>
#map1 = affine_map<(d0, d1) -> (0, 0, 0)>
module attributes {stable_mosaic.version = 14 : i64} {
  func.func @_agg_body(%arg0: i32, %arg1: i32, %arg2: memref<5120x64xi32, #tpu.memory_space<hbm>>, %arg3: memref<5120x64xi32, #tpu.memory_space<hbm>>, %arg4: memref<10000x128xf32, #tpu.memory_space<hbm>>, %arg5: memref<2x10112x128xf32, #tpu.memory_space<hbm>>, %arg6: memref<40x64xi32, #tpu.memory_space<vmem>>, %arg7: memref<40x64xi32, #tpu.memory_space<vmem>>, %arg8: memref<64x128xf32, #tpu.memory_space<vmem>>, %arg9: memref<64x128xf32, #tpu.memory_space<vmem>>, %arg10: memref<64x128xf32, #tpu.memory_space<vmem>>, %arg11: memref<64x128xf32, #tpu.memory_space<vmem>>, %arg12: memref<10112x128xf32, #tpu.memory_space<vmem_shared>>, %arg13: memref<!tpu.dma_semaphore, #tpu.memory_space<semaphore_mem>>, %arg14: memref<!tpu.dma_semaphore, #tpu.memory_space<semaphore_mem>>, %arg15: memref<!tpu.dma_semaphore, #tpu.memory_space<semaphore_mem>>, %arg16: memref<!tpu.dma_semaphore, #tpu.memory_space<semaphore_mem>>) attributes {dimension_semantics = [#tpu.dimension_semantics<core_parallel>, #tpu.dimension_semantics<subcore_parallel>], iteration_bounds = array<i64: 2, 16>, scalar_prefetch = 0 : i64, scratch_operands = 11 : i64, tpu.core_type = #tpu.core_type<sc_vector_subcore>, window_params = [{transform_indices = #map}, {transform_indices = #map}, {transform_indices = #map}, {transform_indices = #map1}]} {
    %mul3A = arith.constant 16 : i32
    %mul3A_0 = arith.muli %arg0, %mul3A : i32
    %add3A = arith.addi %mul3A_0, %arg1 : i32
    %mul3A_1 = arith.constant 632 : i32
    %mul3A_2 = arith.muli %arg1, %mul3A_1 : i32
    %scan3A = arith.constant 0 : i32
    %scan3A_3 = arith.constant 0 : i32
    %scan3A_4 = arith.constant 64 : i32
    %scan3A_5 = arith.addi %scan3A_3, %scan3A_4 : i32
    %scan3A_6 = arith.constant 1 : i32
    scf.for %scan3A_36 = %scan3A_3 to %scan3A_5 step %scan3A_6  : i32 {
      %broadcast_in_dim3A = arith.constant 0.000000e+00 : f32
      %broadcast_in_dim3A_37 = vector.broadcast %broadcast_in_dim3A : f32 to vector<16xf32>
      %swap3A = arith.index_cast %scan3A_36 : i32 to index
      %swap3A_38 = arith.constant 0 : index
      %swap3A_39 = tpu.vector_load %arg8[%swap3A, %swap3A_38] {strides = array<i32>} : memref<64x128xf32, #tpu.memory_space<vmem>>, vector<1x16xf32>,
      %swap3A_40 = vector.shape_cast %swap3A_39 : vector<1x16xf32> to vector<16xf32>
      %swap3A_41 = vector.shape_cast %broadcast_in_dim3A_37 : vector<16xf32> to vector<1x16xf32>
      tpu.vector_store %arg8[%swap3A, %swap3A_38], %swap3A_41 {strides = array<i32>} : memref<64x128xf32, #tpu.memory_space<vmem>>, vector<1x16xf32>,
      %broadcast_in_dim3A_42 = arith.constant 0.000000e+00 : f32
      %broadcast_in_dim3A_43 = vector.broadcast %broadcast_in_dim3A_42 : f32 to vector<16xf32>
      %swap3A_44 = arith.index_cast %scan3A_36 : i32 to index
      %swap3A_45 = arith.constant 16 : index
      %swap3A_46 = tpu.vector_load %arg8[%swap3A_44, %swap3A_45] {strides = array<i32>} : memref<64x128xf32, #tpu.memory_space<vmem>>, vector<1x16xf32>,
      %swap3A_47 = vector.shape_cast %swap3A_46 : vector<1x16xf32> to vector<16xf32>
      %swap3A_48 = vector.shape_cast %broadcast_in_dim3A_43 : vector<16xf32> to vector<1x16xf32>
      tpu.vector_store %arg8[%swap3A_44, %swap3A_45], %swap3A_48 {strides = array<i32>} : memref<64x128xf32, #tpu.memory_space<vmem>>, vector<1x16xf32>,
      %broadcast_in_dim3A_49 = arith.constant 0.000000e+00 : f32
      %broadcast_in_dim3A_50 = vector.broadcast %broadcast_in_dim3A_49 : f32 to vector<16xf32>
      %swap3A_51 = arith.index_cast %scan3A_36 : i32 to index
      %swap3A_52 = arith.constant 32 : index
      %swap3A_53 = tpu.vector_load %arg8[%swap3A_51, %swap3A_52] {strides = array<i32>} : memref<64x128xf32, #tpu.memory_space<vmem>>, vector<1x16xf32>,
      %swap3A_54 = vector.shape_cast %swap3A_53 : vector<1x16xf32> to vector<16xf32>
      %swap3A_55 = vector.shape_cast %broadcast_in_dim3A_50 : vector<16xf32> to vector<1x16xf32>
      tpu.vector_store %arg8[%swap3A_51, %swap3A_52], %swap3A_55 {strides = array<i32>} : memref<64x128xf32, #tpu.memory_space<vmem>>, vector<1x16xf32>,
      %broadcast_in_dim3A_56 = arith.constant 0.000000e+00 : f32
      %broadcast_in_dim3A_57 = vector.broadcast %broadcast_in_dim3A_56 : f32 to vector<16xf32>
      %swap3A_58 = arith.index_cast %scan3A_36 : i32 to index
      %swap3A_59 = arith.constant 48 : index
      %swap3A_60 = tpu.vector_load %arg8[%swap3A_58, %swap3A_59] {strides = array<i32>} : memref<64x128xf32, #tpu.memory_space<vmem>>, vector<1x16xf32>,
      %swap3A_61 = vector.shape_cast %swap3A_60 : vector<1x16xf32> to vector<16xf32>
      %swap3A_62 = vector.shape_cast %broadcast_in_dim3A_57 : vector<16xf32> to vector<1x16xf32>
      tpu.vector_store %arg8[%swap3A_58, %swap3A_59], %swap3A_62 {strides = array<i32>} : memref<64x128xf32, #tpu.memory_space<vmem>>, vector<1x16xf32>,
      %broadcast_in_dim3A_63 = arith.constant 0.000000e+00 : f32
      %broadcast_in_dim3A_64 = vector.broadcast %broadcast_in_dim3A_63 : f32 to vector<16xf32>
      %swap3A_65 = arith.index_cast %scan3A_36 : i32 to index
      %swap3A_66 = arith.constant 64 : index
      %swap3A_67 = tpu.vector_load %arg8[%swap3A_65, %swap3A_66] {strides = array<i32>} : memref<64x128xf32, #tpu.memory_space<vmem>>, vector<1x16xf32>,
      %swap3A_68 = vector.shape_cast %swap3A_67 : vector<1x16xf32> to vector<16xf32>
      %swap3A_69 = vector.shape_cast %broadcast_in_dim3A_64 : vector<16xf32> to vector<1x16xf32>
      tpu.vector_store %arg8[%swap3A_65, %swap3A_66], %swap3A_69 {strides = array<i32>} : memref<64x128xf32, #tpu.memory_space<vmem>>, vector<1x16xf32>,
      %broadcast_in_dim3A_70 = arith.constant 0.000000e+00 : f32
      %broadcast_in_dim3A_71 = vector.broadcast %broadcast_in_dim3A_70 : f32 to vector<16xf32>
      %swap3A_72 = arith.index_cast %scan3A_36 : i32 to index
      %swap3A_73 = arith.constant 80 : index
      %swap3A_74 = tpu.vector_load %arg8[%swap3A_72, %swap3A_73] {strides = array<i32>} : memref<64x128xf32, #tpu.memory_space<vmem>>, vector<1x16xf32>,
      %swap3A_75 = vector.shape_cast %swap3A_74 : vector<1x16xf32> to vector<16xf32>
      %swap3A_76 = vector.shape_cast %broadcast_in_dim3A_71 : vector<16xf32> to vector<1x16xf32>
      tpu.vector_store %arg8[%swap3A_72, %swap3A_73], %swap3A_76 {strides = array<i32>} : memref<64x128xf32, #tpu.memory_space<vmem>>, vector<1x16xf32>,
      %broadcast_in_dim3A_77 = arith.constant 0.000000e+00 : f32
      %broadcast_in_dim3A_78 = vector.broadcast %broadcast_in_dim3A_77 : f32 to vector<16xf32>
      %swap3A_79 = arith.index_cast %scan3A_36 : i32 to index
      %swap3A_80 = arith.constant 96 : index
      %swap3A_81 = tpu.vector_load %arg8[%swap3A_79, %swap3A_80] {strides = array<i32>} : memref<64x128xf32, #tpu.memory_space<vmem>>, vector<1x16xf32>,
      %swap3A_82 = vector.shape_cast %swap3A_81 : vector<1x16xf32> to vector<16xf32>
      %swap3A_83 = vector.shape_cast %broadcast_in_dim3A_78 : vector<16xf32> to vector<1x16xf32>
      tpu.vector_store %arg8[%swap3A_79, %swap3A_80], %swap3A_83 {strides = array<i32>} : memref<64x128xf32, #tpu.memory_space<vmem>>, vector<1x16xf32>,
      %broadcast_in_dim3A_84 = arith.constant 0.000000e+00 : f32
      %broadcast_in_dim3A_85 = vector.broadcast %broadcast_in_dim3A_84 : f32 to vector<16xf32>
      %swap3A_86 = arith.index_cast %scan3A_36 : i32 to index
      %swap3A_87 = arith.constant 112 : index
      %swap3A_88 = tpu.vector_load %arg8[%swap3A_86, %swap3A_87] {strides = array<i32>} : memref<64x128xf32, #tpu.memory_space<vmem>>, vector<1x16xf32>,
      %swap3A_89 = vector.shape_cast %swap3A_88 : vector<1x16xf32> to vector<16xf32>
      %swap3A_90 = vector.shape_cast %broadcast_in_dim3A_85 : vector<16xf32> to vector<1x16xf32>
      tpu.vector_store %arg8[%swap3A_86, %swap3A_87], %swap3A_90 {strides = array<i32>} : memref<64x128xf32, #tpu.memory_space<vmem>>, vector<1x16xf32>,
    }
    %scan3A_7 = arith.constant 64 : i32
    %add3A_8 = arith.constant 0 : i32
    %add3A_9 = arith.addi %mul3A_2, %add3A_8 : i32
    "tpu.region"() ({
      %run_scoped3A = tpu.sem_alloc : memref<!tpu.dma_semaphore, #tpu.memory_space<semaphore_mem>>
      %dma_start3A = arith.constant 0 : i32
      %dma_start3A_36 = tpu.memref_slice %arg12[%add3A_9, %dma_start3A] : memref<10112x128xf32, #tpu.memory_space<vmem_shared>> -> memref<64x128xf32, #tpu.memory_space<vmem_shared>>
      %dma_start3A_37 = arith.constant 0 : i32
      %dma_start3A_38 = tpu.memref_slice %arg12[%add3A_9, %dma_start3A_37] : memref<10112x128xf32, #tpu.memory_space<vmem_shared>> -> memref<64x128xf32, #tpu.memory_space<vmem_shared>>
      tpu.enqueue_dma source(%arg8 : memref<64x128xf32, #tpu.memory_space<vmem>>) target(%dma_start3A_38 : memref<64x128xf32, #tpu.memory_space<vmem_shared>>) target_semaphore(%run_scoped3A : memref<!tpu.dma_semaphore, #tpu.memory_space<semaphore_mem>>)
      %dma_wait3A = arith.constant 0 : i32
      %dma_wait3A_39 = tpu.memref_slice %arg12[%add3A_9, %dma_wait3A] : memref<10112x128xf32, #tpu.memory_space<vmem_shared>> -> memref<64x128xf32, #tpu.memory_space<vmem_shared>>
      %dma_wait3A_40 = arith.constant 0 : i32
      %dma_wait3A_41 = tpu.memref_slice %arg12[%add3A_9, %dma_wait3A_40] : memref<10112x128xf32, #tpu.memory_space<vmem_shared>> -> memref<64x128xf32, #tpu.memory_space<vmem_shared>>
      tpu.wait_dma2 semaphore(%run_scoped3A : memref<!tpu.dma_semaphore, #tpu.memory_space<semaphore_mem>>) src(%arg8 : memref<64x128xf32, #tpu.memory_space<vmem>>) dst(%dma_wait3A_41 : memref<64x128xf32, #tpu.memory_space<vmem_shared>>)
      tpu.yield
    }) : () -> ()
    %add3A_10 = arith.constant 64 : i32
    %add3A_11 = arith.addi %mul3A_2, %add3A_10 : i32
    "tpu.region"() ({
      %run_scoped3A = tpu.sem_alloc : memref<!tpu.dma_semaphore, #tpu.memory_space<semaphore_mem>>
      %dma_start3A = arith.constant 0 : i32
      %dma_start3A_36 = tpu.memref_slice %arg12[%add3A_11, %dma_start3A] : memref<10112x128xf32, #tpu.memory_space<vmem_shared>> -> memref<64x128xf32, #tpu.memory_space<vmem_shared>>
      %dma_start3A_37 = arith.constant 0 : i32
      %dma_start3A_38 = tpu.memref_slice %arg12[%add3A_11, %dma_start3A_37] : memref<10112x128xf32, #tpu.memory_space<vmem_shared>> -> memref<64x128xf32, #tpu.memory_space<vmem_shared>>
      tpu.enqueue_dma source(%arg8 : memref<64x128xf32, #tpu.memory_space<vmem>>) target(%dma_start3A_38 : memref<64x128xf32, #tpu.memory_space<vmem_shared>>) target_semaphore(%run_scoped3A : memref<!tpu.dma_semaphore, #tpu.memory_space<semaphore_mem>>)
      %dma_wait3A = arith.constant 0 : i32
      %dma_wait3A_39 = tpu.memref_slice %arg12[%add3A_11, %dma_wait3A] : memref<10112x128xf32, #tpu.memory_space<vmem_shared>> -> memref<64x128xf32, #tpu.memory_space<vmem_shared>>
      %dma_wait3A_40 = arith.constant 0 : i32
      %dma_wait3A_41 = tpu.memref_slice %arg12[%add3A_11, %dma_wait3A_40] : memref<10112x128xf32, #tpu.memory_space<vmem_shared>> -> memref<64x128xf32, #tpu.memory_space<vmem_shared>>
      tpu.wait_dma2 semaphore(%run_scoped3A : memref<!tpu.dma_semaphore, #tpu.memory_space<semaphore_mem>>) src(%arg8 : memref<64x128xf32, #tpu.memory_space<vmem>>) dst(%dma_wait3A_41 : memref<64x128xf32, #tpu.memory_space<vmem_shared>>)
      tpu.yield
    }) : () -> ()
    %add3A_12 = arith.constant 128 : i32
    %add3A_13 = arith.addi %mul3A_2, %add3A_12 : i32
    "tpu.region"() ({
      %run_scoped3A = tpu.sem_alloc : memref<!tpu.dma_semaphore, #tpu.memory_space<semaphore_mem>>
      %dma_start3A = arith.constant 0 : i32
      %dma_start3A_36 = tpu.memref_slice %arg12[%add3A_13, %dma_start3A] : memref<10112x128xf32, #tpu.memory_space<vmem_shared>> -> memref<64x128xf32, #tpu.memory_space<vmem_shared>>
      %dma_start3A_37 = arith.constant 0 : i32
      %dma_start3A_38 = tpu.memref_slice %arg12[%add3A_13, %dma_start3A_37] : memref<10112x128xf32, #tpu.memory_space<vmem_shared>> -> memref<64x128xf32, #tpu.memory_space<vmem_shared>>
      tpu.enqueue_dma source(%arg8 : memref<64x128xf32, #tpu.memory_space<vmem>>) target(%dma_start3A_38 : memref<64x128xf32, #tpu.memory_space<vmem_shared>>) target_semaphore(%run_scoped3A : memref<!tpu.dma_semaphore, #tpu.memory_space<semaphore_mem>>)
      %dma_wait3A = arith.constant 0 : i32
      %dma_wait3A_39 = tpu.memref_slice %arg12[%add3A_13, %dma_wait3A] : memref<10112x128xf32, #tpu.memory_space<vmem_shared>> -> memref<64x128xf32, #tpu.memory_space<vmem_shared>>
      %dma_wait3A_40 = arith.constant 0 : i32
      %dma_wait3A_41 = tpu.memref_slice %arg12[%add3A_13, %dma_wait3A_40] : memref<10112x128xf32, #tpu.memory_space<vmem_shared>> -> memref<64x128xf32, #tpu.memory_space<vmem_shared>>
      tpu.wait_dma2 semaphore(%run_scoped3A : memref<!tpu.dma_semaphore, #tpu.memory_space<semaphore_mem>>) src(%arg8 : memref<64x128xf32, #tpu.memory_space<vmem>>) dst(%dma_wait3A_41 : memref<64x128xf32, #tpu.memory_space<vmem_shared>>)
      tpu.yield
    }) : () -> ()
    %add3A_14 = arith.constant 192 : i32
    %add3A_15 = arith.addi %mul3A_2, %add3A_14 : i32
    "tpu.region"() ({
      %run_scoped3A = tpu.sem_alloc : memref<!tpu.dma_semaphore, #tpu.memory_space<semaphore_mem>>
      %dma_start3A = arith.constant 0 : i32
      %dma_start3A_36 = tpu.memref_slice %arg12[%add3A_15, %dma_start3A] : memref<10112x128xf32, #tpu.memory_space<vmem_shared>> -> memref<64x128xf32, #tpu.memory_space<vmem_shared>>
      %dma_start3A_37 = arith.constant 0 : i32
      %dma_start3A_38 = tpu.memref_slice %arg12[%add3A_15, %dma_start3A_37] : memref<10112x128xf32, #tpu.memory_space<vmem_shared>> -> memref<64x128xf32, #tpu.memory_space<vmem_shared>>
      tpu.enqueue_dma source(%arg8 : memref<64x128xf32, #tpu.memory_space<vmem>>) target(%dma_start3A_38 : memref<64x128xf32, #tpu.memory_space<vmem_shared>>) target_semaphore(%run_scoped3A : memref<!tpu.dma_semaphore, #tpu.memory_space<semaphore_mem>>)
      %dma_wait3A = arith.constant 0 : i32
      %dma_wait3A_39 = tpu.memref_slice %arg12[%add3A_15, %dma_wait3A] : memref<10112x128xf32, #tpu.memory_space<vmem_shared>> -> memref<64x128xf32, #tpu.memory_space<vmem_shared>>
      %dma_wait3A_40 = arith.constant 0 : i32
      %dma_wait3A_41 = tpu.memref_slice %arg12[%add3A_15, %dma_wait3A_40] : memref<10112x128xf32, #tpu.memory_space<vmem_shared>> -> memref<64x128xf32, #tpu.memory_space<vmem_shared>>
      tpu.wait_dma2 semaphore(%run_scoped3A : memref<!tpu.dma_semaphore, #tpu.memory_space<semaphore_mem>>) src(%arg8 : memref<64x128xf32, #tpu.memory_space<vmem>>) dst(%dma_wait3A_41 : memref<64x128xf32, #tpu.memory_space<vmem_shared>>)
      tpu.yield
    }) : () -> ()
    %add3A_16 = arith.constant 256 : i32
    %add3A_17 = arith.addi %mul3A_2, %add3A_16 : i32
    "tpu.region"() ({
      %run_scoped3A = tpu.sem_alloc : memref<!tpu.dma_semaphore, #tpu.memory_space<semaphore_mem>>
      %dma_start3A = arith.constant 0 : i32
      %dma_start3A_36 = tpu.memref_slice %arg12[%add3A_17, %dma_start3A] : memref<10112x128xf32, #tpu.memory_space<vmem_shared>> -> memref<64x128xf32, #tpu.memory_space<vmem_shared>>
      %dma_start3A_37 = arith.constant 0 : i32
      %dma_start3A_38 = tpu.memref_slice %arg12[%add3A_17, %dma_start3A_37] : memref<10112x128xf32, #tpu.memory_space<vmem_shared>> -> memref<64x128xf32, #tpu.memory_space<vmem_shared>>
      tpu.enqueue_dma source(%arg8 : memref<64x128xf32, #tpu.memory_space<vmem>>) target(%dma_start3A_38 : memref<64x128xf32, #tpu.memory_space<vmem_shared>>) target_semaphore(%run_scoped3A : memref<!tpu.dma_semaphore, #tpu.memory_space<semaphore_mem>>)
      %dma_wait3A = arith.constant 0 : i32
      %dma_wait3A_39 = tpu.memref_slice %arg12[%add3A_17, %dma_wait3A] : memref<10112x128xf32, #tpu.memory_space<vmem_shared>> -> memref<64x128xf32, #tpu.memory_space<vmem_shared>>
      %dma_wait3A_40 = arith.constant 0 : i32
      %dma_wait3A_41 = tpu.memref_slice %arg12[%add3A_17, %dma_wait3A_40] : memref<10112x128xf32, #tpu.memory_space<vmem_shared>> -> memref<64x128xf32, #tpu.memory_space<vmem_shared>>
      tpu.wait_dma2 semaphore(%run_scoped3A : memref<!tpu.dma_semaphore, #tpu.memory_space<semaphore_mem>>) src(%arg8 : memref<64x128xf32, #tpu.memory_space<vmem>>) dst(%dma_wait3A_41 : memref<64x128xf32, #tpu.memory_space<vmem_shared>>)
      tpu.yield
    }) : () -> ()
    %add3A_18 = arith.constant 320 : i32
    %add3A_19 = arith.addi %mul3A_2, %add3A_18 : i32
    "tpu.region"() ({
      %run_scoped3A = tpu.sem_alloc : memref<!tpu.dma_semaphore, #tpu.memory_space<semaphore_mem>>
      %dma_start3A = arith.constant 0 : i32
      %dma_start3A_36 = tpu.memref_slice %arg12[%add3A_19, %dma_start3A] : memref<10112x128xf32, #tpu.memory_space<vmem_shared>> -> memref<64x128xf32, #tpu.memory_space<vmem_shared>>
      %dma_start3A_37 = arith.constant 0 : i32
      %dma_start3A_38 = tpu.memref_slice %arg12[%add3A_19, %dma_start3A_37] : memref<10112x128xf32, #tpu.memory_space<vmem_shared>> -> memref<64x128xf32, #tpu.memory_space<vmem_shared>>
      tpu.enqueue_dma source(%arg8 : memref<64x128xf32, #tpu.memory_space<vmem>>) target(%dma_start3A_38 : memref<64x128xf32, #tpu.memory_space<vmem_shared>>) target_semaphore(%run_scoped3A : memref<!tpu.dma_semaphore, #tpu.memory_space<semaphore_mem>>)
      %dma_wait3A = arith.constant 0 : i32
      %dma_wait3A_39 = tpu.memref_slice %arg12[%add3A_19, %dma_wait3A] : memref<10112x128xf32, #tpu.memory_space<vmem_shared>> -> memref<64x128xf32, #tpu.memory_space<vmem_shared>>
      %dma_wait3A_40 = arith.constant 0 : i32
      %dma_wait3A_41 = tpu.memref_slice %arg12[%add3A_19, %dma_wait3A_40] : memref<10112x128xf32, #tpu.memory_space<vmem_shared>> -> memref<64x128xf32, #tpu.memory_space<vmem_shared>>
      tpu.wait_dma2 semaphore(%run_scoped3A : memref<!tpu.dma_semaphore, #tpu.memory_space<semaphore_mem>>) src(%arg8 : memref<64x128xf32, #tpu.memory_space<vmem>>) dst(%dma_wait3A_41 : memref<64x128xf32, #tpu.memory_space<vmem_shared>>)
      tpu.yield
    }) : () -> ()
    %add3A_20 = arith.constant 384 : i32
    %add3A_21 = arith.addi %mul3A_2, %add3A_20 : i32
    "tpu.region"() ({
      %run_scoped3A = tpu.sem_alloc : memref<!tpu.dma_semaphore, #tpu.memory_space<semaphore_mem>>
      %dma_start3A = arith.constant 0 : i32
      %dma_start3A_36 = tpu.memref_slice %arg12[%add3A_21, %dma_start3A] : memref<10112x128xf32, #tpu.memory_space<vmem_shared>> -> memref<64x128xf32, #tpu.memory_space<vmem_shared>>
      %dma_start3A_37 = arith.constant 0 : i32
      %dma_start3A_38 = tpu.memref_slice %arg12[%add3A_21, %dma_start3A_37] : memref<10112x128xf32, #tpu.memory_space<vmem_shared>> -> memref<64x128xf32, #tpu.memory_space<vmem_shared>>
      tpu.enqueue_dma source(%arg8 : memref<64x128xf32, #tpu.memory_space<vmem>>) target(%dma_start3A_38 : memref<64x128xf32, #tpu.memory_space<vmem_shared>>) target_semaphore(%run_scoped3A : memref<!tpu.dma_semaphore, #tpu.memory_space<semaphore_mem>>)
      %dma_wait3A = arith.constant 0 : i32
      %dma_wait3A_39 = tpu.memref_slice %arg12[%add3A_21, %dma_wait3A] : memref<10112x128xf32, #tpu.memory_space<vmem_shared>> -> memref<64x128xf32, #tpu.memory_space<vmem_shared>>
      %dma_wait3A_40 = arith.constant 0 : i32
      %dma_wait3A_41 = tpu.memref_slice %arg12[%add3A_21, %dma_wait3A_40] : memref<10112x128xf32, #tpu.memory_space<vmem_shared>> -> memref<64x128xf32, #tpu.memory_space<vmem_shared>>
      tpu.wait_dma2 semaphore(%run_scoped3A : memref<!tpu.dma_semaphore, #tpu.memory_space<semaphore_mem>>) src(%arg8 : memref<64x128xf32, #tpu.memory_space<vmem>>) dst(%dma_wait3A_41 : memref<64x128xf32, #tpu.memory_space<vmem_shared>>)
      tpu.yield
    }) : () -> ()
    %add3A_22 = arith.constant 448 : i32
    %add3A_23 = arith.addi %mul3A_2, %add3A_22 : i32
    "tpu.region"() ({
      %run_scoped3A = tpu.sem_alloc : memref<!tpu.dma_semaphore, #tpu.memory_space<semaphore_mem>>
      %dma_start3A = arith.constant 0 : i32
      %dma_start3A_36 = tpu.memref_slice %arg12[%add3A_23, %dma_start3A] : memref<10112x128xf32, #tpu.memory_space<vmem_shared>> -> memref<64x128xf32, #tpu.memory_space<vmem_shared>>
      %dma_start3A_37 = arith.constant 0 : i32
      %dma_start3A_38 = tpu.memref_slice %arg12[%add3A_23, %dma_start3A_37] : memref<10112x128xf32, #tpu.memory_space<vmem_shared>> -> memref<64x128xf32, #tpu.memory_space<vmem_shared>>
      tpu.enqueue_dma source(%arg8 : memref<64x128xf32, #tpu.memory_space<vmem>>) target(%dma_start3A_38 : memref<64x128xf32, #tpu.memory_space<vmem_shared>>) target_semaphore(%run_scoped3A : memref<!tpu.dma_semaphore, #tpu.memory_space<semaphore_mem>>)
      %dma_wait3A = arith.constant 0 : i32
      %dma_wait3A_39 = tpu.memref_slice %arg12[%add3A_23, %dma_wait3A] : memref<10112x128xf32, #tpu.memory_space<vmem_shared>> -> memref<64x128xf32, #tpu.memory_space<vmem_shared>>
      %dma_wait3A_40 = arith.constant 0 : i32
      %dma_wait3A_41 = tpu.memref_slice %arg12[%add3A_23, %dma_wait3A_40] : memref<10112x128xf32, #tpu.memory_space<vmem_shared>> -> memref<64x128xf32, #tpu.memory_space<vmem_shared>>
      tpu.wait_dma2 semaphore(%run_scoped3A : memref<!tpu.dma_semaphore, #tpu.memory_space<semaphore_mem>>) src(%arg8 : memref<64x128xf32, #tpu.memory_space<vmem>>) dst(%dma_wait3A_41 : memref<64x128xf32, #tpu.memory_space<vmem_shared>>)
      tpu.yield
    }) : () -> ()
    %add3A_24 = arith.constant 512 : i32
    %add3A_25 = arith.addi %mul3A_2, %add3A_24 : i32
    "tpu.region"() ({
      %run_scoped3A = tpu.sem_alloc : memref<!tpu.dma_semaphore, #tpu.memory_space<semaphore_mem>>
      %dma_start3A = arith.constant 0 : i32
      %dma_start3A_36 = tpu.memref_slice %arg12[%add3A_25, %dma_start3A] : memref<10112x128xf32, #tpu.memory_space<vmem_shared>> -> memref<64x128xf32, #tpu.memory_space<vmem_shared>>
      %dma_start3A_37 = arith.constant 0 : i32
      %dma_start3A_38 = tpu.memref_slice %arg12[%add3A_25, %dma_start3A_37] : memref<10112x128xf32, #tpu.memory_space<vmem_shared>> -> memref<64x128xf32, #tpu.memory_space<vmem_shared>>
      tpu.enqueue_dma source(%arg8 : memref<64x128xf32, #tpu.memory_space<vmem>>) target(%dma_start3A_38 : memref<64x128xf32, #tpu.memory_space<vmem_shared>>) target_semaphore(%run_scoped3A : memref<!tpu.dma_semaphore, #tpu.memory_space<semaphore_mem>>)
      %dma_wait3A = arith.constant 0 : i32
      %dma_wait3A_39 = tpu.memref_slice %arg12[%add3A_25, %dma_wait3A] : memref<10112x128xf32, #tpu.memory_space<vmem_shared>> -> memref<64x128xf32, #tpu.memory_space<vmem_shared>>
      %dma_wait3A_40 = arith.constant 0 : i32
      %dma_wait3A_41 = tpu.memref_slice %arg12[%add3A_25, %dma_wait3A_40] : memref<10112x128xf32, #tpu.memory_space<vmem_shared>> -> memref<64x128xf32, #tpu.memory_space<vmem_shared>>
      tpu.wait_dma2 semaphore(%run_scoped3A : memref<!tpu.dma_semaphore, #tpu.memory_space<semaphore_mem>>) src(%arg8 : memref<64x128xf32, #tpu.memory_space<vmem>>) dst(%dma_wait3A_41 : memref<64x128xf32, #tpu.memory_space<vmem_shared>>)
      tpu.yield
    }) : () -> ()
    %add3A_26 = arith.constant 632 : i32
    %add3A_27 = arith.addi %mul3A_2, %add3A_26 : i32
    %sub3A = arith.constant 56 : i32
    %sub3A_28 = arith.subi %add3A_27, %sub3A : i32
    "tpu.region"() ({
      %run_scoped3A = tpu.sem_alloc : memref<!tpu.dma_semaphore, #tpu.memory_space<semaphore_mem>>
      %dma_start3A = arith.constant 0 : i32
      %dma_start3A_36 = arith.constant 0 : i32
      %dma_start3A_37 = tpu.memref_slice %arg8[%dma_start3A, %dma_start3A_36] : memref<64x128xf32, #tpu.memory_space<vmem>> -> memref<56x128xf32, #tpu.memory_space<vmem>>
      %dma_start3A_38 = arith.constant 0 : i32
      %dma_start3A_39 = tpu.memref_slice %arg12[%sub3A_28, %dma_start3A_38] : memref<10112x128xf32, #tpu.memory_space<vmem_shared>> -> memref<56x128xf32, #tpu.memory_space<vmem_shared>>
      %dma_start3A_40 = arith.constant 0 : i32
      %dma_start3A_41 = tpu.memref_slice %arg12[%sub3A_28, %dma_start3A_40] : memref<10112x128xf32, #tpu.memory_space<vmem_shared>> -> memref<56x128xf32, #tpu.memory_space<vmem_shared>>
      %dma_start3A_42 = arith.constant 0 : i32
      %dma_start3A_43 = arith.constant 0 : i32
      %dma_start3A_44 = tpu.memref_slice %arg8[%dma_start3A_42, %dma_start3A_43] : memref<64x128xf32, #tpu.memory_space<vmem>> -> memref<56x128xf32, #tpu.memory_space<vmem>>
      tpu.enqueue_dma source(%dma_start3A_44 : memref<56x128xf32, #tpu.memory_space<vmem>>) target(%dma_start3A_41 : memref<56x128xf32, #tpu.memory_space<vmem_shared>>) target_semaphore(%run_scoped3A : memref<!tpu.dma_semaphore, #tpu.memory_space<semaphore_mem>>)
      %dma_wait3A = arith.constant 0 : i32
      %dma_wait3A_45 = arith.constant 0 : i32
      %dma_wait3A_46 = tpu.memref_slice %arg8[%dma_wait3A, %dma_wait3A_45] : memref<64x128xf32, #tpu.memory_space<vmem>> -> memref<56x128xf32, #tpu.memory_space<vmem>>
      %dma_wait3A_47 = arith.constant 0 : i32
      %dma_wait3A_48 = tpu.memref_slice %arg12[%sub3A_28, %dma_wait3A_47] : memref<10112x128xf32, #tpu.memory_space<vmem_shared>> -> memref<56x128xf32, #tpu.memory_space<vmem_shared>>
      %dma_wait3A_49 = arith.constant 0 : i32
      %dma_wait3A_50 = tpu.memref_slice %arg12[%sub3A_28, %dma_wait3A_49] : memref<10112x128xf32, #tpu.memory_space<vmem_shared>> -> memref<56x128xf32, #tpu.memory_space<vmem_shared>>
      %dma_wait3A_51 = arith.constant 0 : i32
      %dma_wait3A_52 = arith.constant 0 : i32
      %dma_wait3A_53 = tpu.memref_slice %arg8[%dma_wait3A_51, %dma_wait3A_52] : memref<64x128xf32, #tpu.memory_space<vmem>> -> memref<56x128xf32, #tpu.memory_space<vmem>>
      tpu.wait_dma2 semaphore(%run_scoped3A : memref<!tpu.dma_semaphore, #tpu.memory_space<semaphore_mem>>) src(%dma_wait3A_53 : memref<56x128xf32, #tpu.memory_space<vmem>>) dst(%dma_wait3A_50 : memref<56x128xf32, #tpu.memory_space<vmem_shared>>)
      tpu.yield
    }) : () -> ()
    %barrier3A = arith.constant 0 : index
    tpu.barrier barrier_id(%barrier3A)
    %scan3A_29 = arith.constant 0 : i32
    %scan3A_30 = arith.constant 0 : i32
    %scan3A_31 = arith.constant 4 : i32
    %scan3A_32 = arith.addi %scan3A_30, %scan3A_31 : i32
    %scan3A_33 = arith.constant 1 : i32
    scf.for %scan3A_36 = %scan3A_30 to %scan3A_32 step %scan3A_33  : i32 {
      %mul3A_37 = arith.constant 160 : i32
      %mul3A_38 = arith.muli %add3A, %mul3A_37 : i32
      %mul3A_39 = arith.constant 40 : i32
      %mul3A_40 = arith.muli %scan3A_36, %mul3A_39 : i32
      %add3A_41 = arith.addi %mul3A_38, %mul3A_40 : i32
      %multiple_of3A = tpu.assume_multiple %add3A_41, 8 : i32
      "tpu.region"() ({
        %run_scoped3A_105 = tpu.sem_alloc : memref<!tpu.dma_semaphore, #tpu.memory_space<semaphore_mem>>
        %dma_start3A_106 = arith.constant 0 : i32
        %dma_start3A_107 = tpu.memref_slice %arg2[%multiple_of3A, %dma_start3A_106] : memref<5120x64xi32, #tpu.memory_space<hbm>> -> memref<40x64xi32, #tpu.memory_space<hbm>>
        %dma_start3A_108 = arith.constant 0 : i32
        %dma_start3A_109 = tpu.memref_slice %arg2[%multiple_of3A, %dma_start3A_108] : memref<5120x64xi32, #tpu.memory_space<hbm>> -> memref<40x64xi32, #tpu.memory_space<hbm>>
        tpu.enqueue_dma source(%dma_start3A_109 : memref<40x64xi32, #tpu.memory_space<hbm>>) target(%arg6 : memref<40x64xi32, #tpu.memory_space<vmem>>) target_semaphore(%run_scoped3A_105 : memref<!tpu.dma_semaphore, #tpu.memory_space<semaphore_mem>>)
        %dma_wait3A_110 = arith.constant 0 : i32
        %dma_wait3A_111 = tpu.memref_slice %arg2[%multiple_of3A, %dma_wait3A_110] : memref<5120x64xi32, #tpu.memory_space<hbm>> -> memref<40x64xi32, #tpu.memory_space<hbm>>
        %dma_wait3A_112 = arith.constant 0 : i32
        %dma_wait3A_113 = tpu.memref_slice %arg2[%multiple_of3A, %dma_wait3A_112] : memref<5120x64xi32, #tpu.memory_space<hbm>> -> memref<40x64xi32, #tpu.memory_space<hbm>>
        tpu.wait_dma2 semaphore(%run_scoped3A_105 : memref<!tpu.dma_semaphore, #tpu.memory_space<semaphore_mem>>) src(%dma_wait3A_113 : memref<40x64xi32, #tpu.memory_space<hbm>>) dst(%arg6 : memref<40x64xi32, #tpu.memory_space<vmem>>)
        tpu.yield
      }) : () -> ()
      "tpu.region"() ({
        %run_scoped3A_105 = tpu.sem_alloc : memref<!tpu.dma_semaphore, #tpu.memory_space<semaphore_mem>>
        %dma_start3A_106 = arith.constant 0 : i32
        %dma_start3A_107 = tpu.memref_slice %arg3[%multiple_of3A, %dma_start3A_106] : memref<5120x64xi32, #tpu.memory_space<hbm>> -> memref<40x64xi32, #tpu.memory_space<hbm>>
        %dma_start3A_108 = arith.constant 0 : i32
        %dma_start3A_109 = tpu.memref_slice %arg3[%multiple_of3A, %dma_start3A_108] : memref<5120x64xi32, #tpu.memory_space<hbm>> -> memref<40x64xi32, #tpu.memory_space<hbm>>
        tpu.enqueue_dma source(%dma_start3A_109 : memref<40x64xi32, #tpu.memory_space<hbm>>) target(%arg7 : memref<40x64xi32, #tpu.memory_space<vmem>>) target_semaphore(%run_scoped3A_105 : memref<!tpu.dma_semaphore, #tpu.memory_space<semaphore_mem>>)
        %dma_wait3A_110 = arith.constant 0 : i32
        %dma_wait3A_111 = tpu.memref_slice %arg3[%multiple_of3A, %dma_wait3A_110] : memref<5120x64xi32, #tpu.memory_space<hbm>> -> memref<40x64xi32, #tpu.memory_space<hbm>>
        %dma_wait3A_112 = arith.constant 0 : i32
        %dma_wait3A_113 = tpu.memref_slice %arg3[%multiple_of3A, %dma_wait3A_112] : memref<5120x64xi32, #tpu.memory_space<hbm>> -> memref<40x64xi32, #tpu.memory_space<hbm>>
        tpu.wait_dma2 semaphore(%run_scoped3A_105 : memref<!tpu.dma_semaphore, #tpu.memory_space<semaphore_mem>>) src(%dma_wait3A_113 : memref<40x64xi32, #tpu.memory_space<hbm>>) dst(%arg7 : memref<40x64xi32, #tpu.memory_space<vmem>>)
        tpu.yield
      }) : () -> ()
      %dma_start3A = arith.constant 0 : i32
      %dma_start3A_42 = arith.constant 0 : i32
      %dma_start3A_43 = tpu.memref_slice %arg6[%dma_start3A, %dma_start3A_42] : memref<40x64xi32, #tpu.memory_space<vmem>> -> memref<1x64xi32, #tpu.memory_space<vmem>>
      %dma_start3A_44 = tpu.memref_squeeze %dma_start3A_43 : memref<1x64xi32, #tpu.memory_space<vmem>> -> memref<64xi32, #tpu.memory_space<vmem>>
      %dma_start3A_45 = arith.constant 0 : i32
      %dma_start3A_46 = arith.constant 0 : i32
      %dma_start3A_47 = tpu.memref_slice %arg4[%dma_start3A_45, %dma_start3A_46] : memref<10000x128xf32, #tpu.memory_space<hbm>> -> memref<10000x128xf32, #tpu.memory_space<hbm>>
      tpu.enqueue_indirect_dma source(%dma_start3A_47 : memref<10000x128xf32, #tpu.memory_space<hbm>>) target(%arg8 : memref<64x128xf32, #tpu.memory_space<vmem>>) offsets(%dma_start3A_44 : memref<64xi32, #tpu.memory_space<vmem>>) semaphore(%arg13 : memref<!tpu.dma_semaphore, #tpu.memory_space<semaphore_mem>>)
      %dma_start3A_48 = arith.constant 1 : i32
      %dma_start3A_49 = arith.constant 0 : i32
      %dma_start3A_50 = tpu.memref_slice %arg6[%dma_start3A_48, %dma_start3A_49] : memref<40x64xi32, #tpu.memory_space<vmem>> -> memref<1x64xi32, #tpu.memory_space<vmem>>
      %dma_start3A_51 = tpu.memref_squeeze %dma_start3A_50 : memref<1x64xi32, #tpu.memory_space<vmem>> -> memref<64xi32, #tpu.memory_space<vmem>>
      %dma_start3A_52 = arith.constant 0 : i32
      %dma_start3A_53 = arith.constant 0 : i32
      %dma_start3A_54 = tpu.memref_slice %arg4[%dma_start3A_52, %dma_start3A_53] : memref<10000x128xf32, #tpu.memory_space<hbm>> -> memref<10000x128xf32, #tpu.memory_space<hbm>>
      tpu.enqueue_indirect_dma source(%dma_start3A_54 : memref<10000x128xf32, #tpu.memory_space<hbm>>) target(%arg9 : memref<64x128xf32, #tpu.memory_space<vmem>>) offsets(%dma_start3A_51 : memref<64xi32, #tpu.memory_space<vmem>>) semaphore(%arg14 : memref<!tpu.dma_semaphore, #tpu.memory_space<semaphore_mem>>)
      %dma_start3A_55 = arith.constant 2 : i32
      %dma_start3A_56 = arith.constant 0 : i32
      %dma_start3A_57 = tpu.memref_slice %arg6[%dma_start3A_55, %dma_start3A_56] : memref<40x64xi32, #tpu.memory_space<vmem>> -> memref<1x64xi32, #tpu.memory_space<vmem>>
      %dma_start3A_58 = tpu.memref_squeeze %dma_start3A_57 : memref<1x64xi32, #tpu.memory_space<vmem>> -> memref<64xi32, #tpu.memory_space<vmem>>
      %dma_start3A_59 = arith.constant 0 : i32
      %dma_start3A_60 = arith.constant 0 : i32
      %dma_start3A_61 = tpu.memref_slice %arg4[%dma_start3A_59, %dma_start3A_60] : memref<10000x128xf32, #tpu.memory_space<hbm>> -> memref<10000x128xf32, #tpu.memory_space<hbm>>
      tpu.enqueue_indirect_dma source(%dma_start3A_61 : memref<10000x128xf32, #tpu.memory_space<hbm>>) target(%arg10 : memref<64x128xf32, #tpu.memory_space<vmem>>) offsets(%dma_start3A_58 : memref<64xi32, #tpu.memory_space<vmem>>) semaphore(%arg15 : memref<!tpu.dma_semaphore, #tpu.memory_space<semaphore_mem>>)
      %dma_start3A_62 = arith.constant 3 : i32
      %dma_start3A_63 = arith.constant 0 : i32
      %dma_start3A_64 = tpu.memref_slice %arg6[%dma_start3A_62, %dma_start3A_63] : memref<40x64xi32, #tpu.memory_space<vmem>> -> memref<1x64xi32, #tpu.memory_space<vmem>>
      %dma_start3A_65 = tpu.memref_squeeze %dma_start3A_64 : memref<1x64xi32, #tpu.memory_space<vmem>> -> memref<64xi32, #tpu.memory_space<vmem>>
      %dma_start3A_66 = arith.constant 0 : i32
      %dma_start3A_67 = arith.constant 0 : i32
      %dma_start3A_68 = tpu.memref_slice %arg4[%dma_start3A_66, %dma_start3A_67] : memref<10000x128xf32, #tpu.memory_space<hbm>> -> memref<10000x128xf32, #tpu.memory_space<hbm>>
      tpu.enqueue_indirect_dma source(%dma_start3A_68 : memref<10000x128xf32, #tpu.memory_space<hbm>>) target(%arg11 : memref<64x128xf32, #tpu.memory_space<vmem>>) offsets(%dma_start3A_65 : memref<64xi32, #tpu.memory_space<vmem>>) semaphore(%arg16 : memref<!tpu.dma_semaphore, #tpu.memory_space<semaphore_mem>>)
      %scan3A_69 = arith.constant 0 : i32
      %scan3A_70 = arith.constant 0 : i32
      %scan3A_71 = arith.constant 9 : i32
      %scan3A_72 = arith.addi %scan3A_70, %scan3A_71 : i32
      %scan3A_73 = arith.constant 1 : i32
      scf.for %scan3A_105 = %scan3A_70 to %scan3A_72 step %scan3A_73  : i32 {
        %mul3A_106 = arith.constant 4 : i32
        %mul3A_107 = arith.muli %scan3A_105, %mul3A_106 : i32
        %add3A_108 = arith.constant 0 : i32
        %add3A_109 = arith.addi %mul3A_107, %add3A_108 : i32
        %dma_wait3A_110 = arith.constant 0 : i32
        %dma_wait3A_111 = tpu.memref_slice %arg6[%add3A_109, %dma_wait3A_110] : memref<40x64xi32, #tpu.memory_space<vmem>> -> memref<1x64xi32, #tpu.memory_space<vmem>>
        %dma_wait3A_112 = tpu.memref_squeeze %dma_wait3A_111 : memref<1x64xi32, #tpu.memory_space<vmem>> -> memref<64xi32, #tpu.memory_space<vmem>>
        %dma_wait3A_113 = arith.constant 0 : i32
        %dma_wait3A_114 = arith.constant 0 : i32
        %dma_wait3A_115 = tpu.memref_slice %arg4[%dma_wait3A_113, %dma_wait3A_114] : memref<10000x128xf32, #tpu.memory_space<hbm>> -> memref<10000x128xf32, #tpu.memory_space<hbm>>
        tpu.wait_indirect_dma semaphore(%arg13 : memref<!tpu.dma_semaphore, #tpu.memory_space<semaphore_mem>>) src(%dma_wait3A_115 : memref<10000x128xf32, #tpu.memory_space<hbm>>) dst(%arg8 : memref<64x128xf32, #tpu.memory_space<vmem>>)
        %add3A_116 = arith.constant 0 : i32
        %add3A_117 = arith.addi %mul3A_107, %add3A_116 : i32
        "tpu.region"() ({
          %run_scoped3A_188 = tpu.sem_alloc : memref<!tpu.dma_semaphore, #tpu.memory_space<semaphore_mem>>
          %dma_start3A_189 = arith.constant 0 : i32
          %dma_start3A_190 = tpu.memref_slice %arg7[%add3A_117, %dma_start3A_189] : memref<40x64xi32, #tpu.memory_space<vmem>> -> memref<1x64xi32, #tpu.memory_space<vmem>>
          %dma_start3A_191 = tpu.memref_squeeze %dma_start3A_190 : memref<1x64xi32, #tpu.memory_space<vmem>> -> memref<64xi32, #tpu.memory_space<vmem>>
          %dma_start3A_192 = arith.constant 0 : i32
          %dma_start3A_193 = arith.constant 0 : i32
          %dma_start3A_194 = tpu.memref_slice %arg12[%dma_start3A_192, %dma_start3A_193] : memref<10112x128xf32, #tpu.memory_space<vmem_shared>> -> memref<10112x128xf32, #tpu.memory_space<vmem_shared>>
          tpu.enqueue_indirect_dma source(%arg8 : memref<64x128xf32, #tpu.memory_space<vmem>>) target(%dma_start3A_194 : memref<10112x128xf32, #tpu.memory_space<vmem_shared>>) offsets(%dma_start3A_191 : memref<64xi32, #tpu.memory_space<vmem>>) semaphore(%run_scoped3A_188 : memref<!tpu.dma_semaphore, #tpu.memory_space<semaphore_mem>>) {add = true}
          %dma_wait3A_195 = arith.constant 0 : i32
          %dma_wait3A_196 = tpu.memref_slice %arg7[%add3A_117, %dma_wait3A_195] : memref<40x64xi32, #tpu.memory_space<vmem>> -> memref<1x64xi32, #tpu.memory_space<vmem>>
          %dma_wait3A_197 = tpu.memref_squeeze %dma_wait3A_196 : memref<1x64xi32, #tpu.memory_space<vmem>> -> memref<64xi32, #tpu.memory_space<vmem>>
          %dma_wait3A_198 = arith.constant 0 : i32
          %dma_wait3A_199 = arith.constant 0 : i32
          %dma_wait3A_200 = tpu.memref_slice %arg12[%dma_wait3A_198, %dma_wait3A_199] : memref<10112x128xf32, #tpu.memory_space<vmem_shared>> -> memref<10112x128xf32, #tpu.memory_space<vmem_shared>>
          tpu.wait_indirect_dma semaphore(%run_scoped3A_188 : memref<!tpu.dma_semaphore, #tpu.memory_space<semaphore_mem>>) src(%arg8 : memref<64x128xf32, #tpu.memory_space<vmem>>) dst(%dma_wait3A_200 : memref<10112x128xf32, #tpu.memory_space<vmem_shared>>)
          tpu.yield
        }) : () -> ()
        %add3A_118 = arith.constant 0 : i32
        %add3A_119 = arith.addi %mul3A_107, %add3A_118 : i32
        %add3A_120 = arith.constant 4 : i32
        %add3A_121 = arith.addi %add3A_119, %add3A_120 : i32
        %dma_start3A_122 = arith.constant 0 : i32
        %dma_start3A_123 = tpu.memref_slice %arg6[%add3A_121, %dma_start3A_122] : memref<40x64xi32, #tpu.memory_space<vmem>> -> memref<1x64xi32, #tpu.memory_space<vmem>>
        %dma_start3A_124 = tpu.memref_squeeze %dma_start3A_123 : memref<1x64xi32, #tpu.memory_space<vmem>> -> memref<64xi32, #tpu.memory_space<vmem>>
        %dma_start3A_125 = arith.constant 0 : i32
        %dma_start3A_126 = arith.constant 0 : i32
        %dma_start3A_127 = tpu.memref_slice %arg4[%dma_start3A_125, %dma_start3A_126] : memref<10000x128xf32, #tpu.memory_space<hbm>> -> memref<10000x128xf32, #tpu.memory_space<hbm>>
        tpu.enqueue_indirect_dma source(%dma_start3A_127 : memref<10000x128xf32, #tpu.memory_space<hbm>>) target(%arg8 : memref<64x128xf32, #tpu.memory_space<vmem>>) offsets(%dma_start3A_124 : memref<64xi32, #tpu.memory_space<vmem>>) semaphore(%arg13 : memref<!tpu.dma_semaphore, #tpu.memory_space<semaphore_mem>>)
        %add3A_128 = arith.constant 1 : i32
        %add3A_129 = arith.addi %mul3A_107, %add3A_128 : i32
        %dma_wait3A_130 = arith.constant 0 : i32
        %dma_wait3A_131 = tpu.memref_slice %arg6[%add3A_129, %dma_wait3A_130] : memref<40x64xi32, #tpu.memory_space<vmem>> -> memref<1x64xi32, #tpu.memory_space<vmem>>
        %dma_wait3A_132 = tpu.memref_squeeze %dma_wait3A_131 : memref<1x64xi32, #tpu.memory_space<vmem>> -> memref<64xi32, #tpu.memory_space<vmem>>
        %dma_wait3A_133 = arith.constant 0 : i32
        %dma_wait3A_134 = arith.constant 0 : i32
        %dma_wait3A_135 = tpu.memref_slice %arg4[%dma_wait3A_133, %dma_wait3A_134] : memref<10000x128xf32, #tpu.memory_space<hbm>> -> memref<10000x128xf32, #tpu.memory_space<hbm>>
        tpu.wait_indirect_dma semaphore(%arg14 : memref<!tpu.dma_semaphore, #tpu.memory_space<semaphore_mem>>) src(%dma_wait3A_135 : memref<10000x128xf32, #tpu.memory_space<hbm>>) dst(%arg9 : memref<64x128xf32, #tpu.memory_space<vmem>>)
        %add3A_136 = arith.constant 1 : i32
        %add3A_137 = arith.addi %mul3A_107, %add3A_136 : i32
        "tpu.region"() ({
          %run_scoped3A_188 = tpu.sem_alloc : memref<!tpu.dma_semaphore, #tpu.memory_space<semaphore_mem>>
          %dma_start3A_189 = arith.constant 0 : i32
          %dma_start3A_190 = tpu.memref_slice %arg7[%add3A_137, %dma_start3A_189] : memref<40x64xi32, #tpu.memory_space<vmem>> -> memref<1x64xi32, #tpu.memory_space<vmem>>
          %dma_start3A_191 = tpu.memref_squeeze %dma_start3A_190 : memref<1x64xi32, #tpu.memory_space<vmem>> -> memref<64xi32, #tpu.memory_space<vmem>>
          %dma_start3A_192 = arith.constant 0 : i32
          %dma_start3A_193 = arith.constant 0 : i32
          %dma_start3A_194 = tpu.memref_slice %arg12[%dma_start3A_192, %dma_start3A_193] : memref<10112x128xf32, #tpu.memory_space<vmem_shared>> -> memref<10112x128xf32, #tpu.memory_space<vmem_shared>>
          tpu.enqueue_indirect_dma source(%arg9 : memref<64x128xf32, #tpu.memory_space<vmem>>) target(%dma_start3A_194 : memref<10112x128xf32, #tpu.memory_space<vmem_shared>>) offsets(%dma_start3A_191 : memref<64xi32, #tpu.memory_space<vmem>>) semaphore(%run_scoped3A_188 : memref<!tpu.dma_semaphore, #tpu.memory_space<semaphore_mem>>) {add = true}
          %dma_wait3A_195 = arith.constant 0 : i32
          %dma_wait3A_196 = tpu.memref_slice %arg7[%add3A_137, %dma_wait3A_195] : memref<40x64xi32, #tpu.memory_space<vmem>> -> memref<1x64xi32, #tpu.memory_space<vmem>>
          %dma_wait3A_197 = tpu.memref_squeeze %dma_wait3A_196 : memref<1x64xi32, #tpu.memory_space<vmem>> -> memref<64xi32, #tpu.memory_space<vmem>>
          %dma_wait3A_198 = arith.constant 0 : i32
          %dma_wait3A_199 = arith.constant 0 : i32
          %dma_wait3A_200 = tpu.memref_slice %arg12[%dma_wait3A_198, %dma_wait3A_199] : memref<10112x128xf32, #tpu.memory_space<vmem_shared>> -> memref<10112x128xf32, #tpu.memory_space<vmem_shared>>
          tpu.wait_indirect_dma semaphore(%run_scoped3A_188 : memref<!tpu.dma_semaphore, #tpu.memory_space<semaphore_mem>>) src(%arg9 : memref<64x128xf32, #tpu.memory_space<vmem>>) dst(%dma_wait3A_200 : memref<10112x128xf32, #tpu.memory_space<vmem_shared>>)
          tpu.yield
        }) : () -> ()
        %add3A_138 = arith.constant 1 : i32
        %add3A_139 = arith.addi %mul3A_107, %add3A_138 : i32
        %add3A_140 = arith.constant 4 : i32
        %add3A_141 = arith.addi %add3A_139, %add3A_140 : i32
        %dma_start3A_142 = arith.constant 0 : i32
        %dma_start3A_143 = tpu.memref_slice %arg6[%add3A_141, %dma_start3A_142] : memref<40x64xi32, #tpu.memory_space<vmem>> -> memref<1x64xi32, #tpu.memory_space<vmem>>
        %dma_start3A_144 = tpu.memref_squeeze %dma_start3A_143 : memref<1x64xi32, #tpu.memory_space<vmem>> -> memref<64xi32, #tpu.memory_space<vmem>>
        %dma_start3A_145 = arith.constant 0 : i32
        %dma_start3A_146 = arith.constant 0 : i32
        %dma_start3A_147 = tpu.memref_slice %arg4[%dma_start3A_145, %dma_start3A_146] : memref<10000x128xf32, #tpu.memory_space<hbm>> -> memref<10000x128xf32, #tpu.memory_space<hbm>>
        tpu.enqueue_indirect_dma source(%dma_start3A_147 : memref<10000x128xf32, #tpu.memory_space<hbm>>) target(%arg9 : memref<64x128xf32, #tpu.memory_space<vmem>>) offsets(%dma_start3A_144 : memref<64xi32, #tpu.memory_space<vmem>>) semaphore(%arg14 : memref<!tpu.dma_semaphore, #tpu.memory_space<semaphore_mem>>)
        %add3A_148 = arith.constant 2 : i32
        %add3A_149 = arith.addi %mul3A_107, %add3A_148 : i32
        %dma_wait3A_150 = arith.constant 0 : i32
        %dma_wait3A_151 = tpu.memref_slice %arg6[%add3A_149, %dma_wait3A_150] : memref<40x64xi32, #tpu.memory_space<vmem>> -> memref<1x64xi32, #tpu.memory_space<vmem>>
        %dma_wait3A_152 = tpu.memref_squeeze %dma_wait3A_151 : memref<1x64xi32, #tpu.memory_space<vmem>> -> memref<64xi32, #tpu.memory_space<vmem>>
        %dma_wait3A_153 = arith.constant 0 : i32
        %dma_wait3A_154 = arith.constant 0 : i32
        %dma_wait3A_155 = tpu.memref_slice %arg4[%dma_wait3A_153, %dma_wait3A_154] : memref<10000x128xf32, #tpu.memory_space<hbm>> -> memref<10000x128xf32, #tpu.memory_space<hbm>>
        tpu.wait_indirect_dma semaphore(%arg15 : memref<!tpu.dma_semaphore, #tpu.memory_space<semaphore_mem>>) src(%dma_wait3A_155 : memref<10000x128xf32, #tpu.memory_space<hbm>>) dst(%arg10 : memref<64x128xf32, #tpu.memory_space<vmem>>)
        %add3A_156 = arith.constant 2 : i32
        %add3A_157 = arith.addi %mul3A_107, %add3A_156 : i32
        "tpu.region"() ({
          %run_scoped3A_188 = tpu.sem_alloc : memref<!tpu.dma_semaphore, #tpu.memory_space<semaphore_mem>>
          %dma_start3A_189 = arith.constant 0 : i32
          %dma_start3A_190 = tpu.memref_slice %arg7[%add3A_157, %dma_start3A_189] : memref<40x64xi32, #tpu.memory_space<vmem>> -> memref<1x64xi32, #tpu.memory_space<vmem>>
          %dma_start3A_191 = tpu.memref_squeeze %dma_start3A_190 : memref<1x64xi32, #tpu.memory_space<vmem>> -> memref<64xi32, #tpu.memory_space<vmem>>
          %dma_start3A_192 = arith.constant 0 : i32
          %dma_start3A_193 = arith.constant 0 : i32
          %dma_start3A_194 = tpu.memref_slice %arg12[%dma_start3A_192, %dma_start3A_193] : memref<10112x128xf32, #tpu.memory_space<vmem_shared>> -> memref<10112x128xf32, #tpu.memory_space<vmem_shared>>
          tpu.enqueue_indirect_dma source(%arg10 : memref<64x128xf32, #tpu.memory_space<vmem>>) target(%dma_start3A_194 : memref<10112x128xf32, #tpu.memory_space<vmem_shared>>) offsets(%dma_start3A_191 : memref<64xi32, #tpu.memory_space<vmem>>) semaphore(%run_scoped3A_188 : memref<!tpu.dma_semaphore, #tpu.memory_space<semaphore_mem>>) {add = true}
          %dma_wait3A_195 = arith.constant 0 : i32
          %dma_wait3A_196 = tpu.memref_slice %arg7[%add3A_157, %dma_wait3A_195] : memref<40x64xi32, #tpu.memory_space<vmem>> -> memref<1x64xi32, #tpu.memory_space<vmem>>
          %dma_wait3A_197 = tpu.memref_squeeze %dma_wait3A_196 : memref<1x64xi32, #tpu.memory_space<vmem>> -> memref<64xi32, #tpu.memory_space<vmem>>
          %dma_wait3A_198 = arith.constant 0 : i32
          %dma_wait3A_199 = arith.constant 0 : i32
          %dma_wait3A_200 = tpu.memref_slice %arg12[%dma_wait3A_198, %dma_wait3A_199] : memref<10112x128xf32, #tpu.memory_space<vmem_shared>> -> memref<10112x128xf32, #tpu.memory_space<vmem_shared>>
          tpu.wait_indirect_dma semaphore(%run_scoped3A_188 : memref<!tpu.dma_semaphore, #tpu.memory_space<semaphore_mem>>) src(%arg10 : memref<64x128xf32, #tpu.memory_space<vmem>>) dst(%dma_wait3A_200 : memref<10112x128xf32, #tpu.memory_space<vmem_shared>>)
          tpu.yield
        }) : () -> ()
        %add3A_158 = arith.constant 2 : i32
        %add3A_159 = arith.addi %mul3A_107, %add3A_158 : i32
        %add3A_160 = arith.constant 4 : i32
        %add3A_161 = arith.addi %add3A_159, %add3A_160 : i32
        %dma_start3A_162 = arith.constant 0 : i32
        %dma_start3A_163 = tpu.memref_slice %arg6[%add3A_161, %dma_start3A_162] : memref<40x64xi32, #tpu.memory_space<vmem>> -> memref<1x64xi32, #tpu.memory_space<vmem>>
        %dma_start3A_164 = tpu.memref_squeeze %dma_start3A_163 : memref<1x64xi32, #tpu.memory_space<vmem>> -> memref<64xi32, #tpu.memory_space<vmem>>
        %dma_start3A_165 = arith.constant 0 : i32
        %dma_start3A_166 = arith.constant 0 : i32
        %dma_start3A_167 = tpu.memref_slice %arg4[%dma_start3A_165, %dma_start3A_166] : memref<10000x128xf32, #tpu.memory_space<hbm>> -> memref<10000x128xf32, #tpu.memory_space<hbm>>
        tpu.enqueue_indirect_dma source(%dma_start3A_167 : memref<10000x128xf32, #tpu.memory_space<hbm>>) target(%arg10 : memref<64x128xf32, #tpu.memory_space<vmem>>) offsets(%dma_start3A_164 : memref<64xi32, #tpu.memory_space<vmem>>) semaphore(%arg15 : memref<!tpu.dma_semaphore, #tpu.memory_space<semaphore_mem>>)
        %add3A_168 = arith.constant 3 : i32
        %add3A_169 = arith.addi %mul3A_107, %add3A_168 : i32
        %dma_wait3A_170 = arith.constant 0 : i32
        %dma_wait3A_171 = tpu.memref_slice %arg6[%add3A_169, %dma_wait3A_170] : memref<40x64xi32, #tpu.memory_space<vmem>> -> memref<1x64xi32, #tpu.memory_space<vmem>>
        %dma_wait3A_172 = tpu.memref_squeeze %dma_wait3A_171 : memref<1x64xi32, #tpu.memory_space<vmem>> -> memref<64xi32, #tpu.memory_space<vmem>>
        %dma_wait3A_173 = arith.constant 0 : i32
        %dma_wait3A_174 = arith.constant 0 : i32
        %dma_wait3A_175 = tpu.memref_slice %arg4[%dma_wait3A_173, %dma_wait3A_174] : memref<10000x128xf32, #tpu.memory_space<hbm>> -> memref<10000x128xf32, #tpu.memory_space<hbm>>
        tpu.wait_indirect_dma semaphore(%arg16 : memref<!tpu.dma_semaphore, #tpu.memory_space<semaphore_mem>>) src(%dma_wait3A_175 : memref<10000x128xf32, #tpu.memory_space<hbm>>) dst(%arg11 : memref<64x128xf32, #tpu.memory_space<vmem>>)
        %add3A_176 = arith.constant 3 : i32
        %add3A_177 = arith.addi %mul3A_107, %add3A_176 : i32
        "tpu.region"() ({
          %run_scoped3A_188 = tpu.sem_alloc : memref<!tpu.dma_semaphore, #tpu.memory_space<semaphore_mem>>
          %dma_start3A_189 = arith.constant 0 : i32
          %dma_start3A_190 = tpu.memref_slice %arg7[%add3A_177, %dma_start3A_189] : memref<40x64xi32, #tpu.memory_space<vmem>> -> memref<1x64xi32, #tpu.memory_space<vmem>>
          %dma_start3A_191 = tpu.memref_squeeze %dma_start3A_190 : memref<1x64xi32, #tpu.memory_space<vmem>> -> memref<64xi32, #tpu.memory_space<vmem>>
          %dma_start3A_192 = arith.constant 0 : i32
          %dma_start3A_193 = arith.constant 0 : i32
          %dma_start3A_194 = tpu.memref_slice %arg12[%dma_start3A_192, %dma_start3A_193] : memref<10112x128xf32, #tpu.memory_space<vmem_shared>> -> memref<10112x128xf32, #tpu.memory_space<vmem_shared>>
          tpu.enqueue_indirect_dma source(%arg11 : memref<64x128xf32, #tpu.memory_space<vmem>>) target(%dma_start3A_194 : memref<10112x128xf32, #tpu.memory_space<vmem_shared>>) offsets(%dma_start3A_191 : memref<64xi32, #tpu.memory_space<vmem>>) semaphore(%run_scoped3A_188 : memref<!tpu.dma_semaphore, #tpu.memory_space<semaphore_mem>>) {add = true}
          %dma_wait3A_195 = arith.constant 0 : i32
          %dma_wait3A_196 = tpu.memref_slice %arg7[%add3A_177, %dma_wait3A_195] : memref<40x64xi32, #tpu.memory_space<vmem>> -> memref<1x64xi32, #tpu.memory_space<vmem>>
          %dma_wait3A_197 = tpu.memref_squeeze %dma_wait3A_196 : memref<1x64xi32, #tpu.memory_space<vmem>> -> memref<64xi32, #tpu.memory_space<vmem>>
          %dma_wait3A_198 = arith.constant 0 : i32
          %dma_wait3A_199 = arith.constant 0 : i32
          %dma_wait3A_200 = tpu.memref_slice %arg12[%dma_wait3A_198, %dma_wait3A_199] : memref<10112x128xf32, #tpu.memory_space<vmem_shared>> -> memref<10112x128xf32, #tpu.memory_space<vmem_shared>>
          tpu.wait_indirect_dma semaphore(%run_scoped3A_188 : memref<!tpu.dma_semaphore, #tpu.memory_space<semaphore_mem>>) src(%arg11 : memref<64x128xf32, #tpu.memory_space<vmem>>) dst(%dma_wait3A_200 : memref<10112x128xf32, #tpu.memory_space<vmem_shared>>)
          tpu.yield
        }) : () -> ()
        %add3A_178 = arith.constant 3 : i32
        %add3A_179 = arith.addi %mul3A_107, %add3A_178 : i32
        %add3A_180 = arith.constant 4 : i32
        %add3A_181 = arith.addi %add3A_179, %add3A_180 : i32
        %dma_start3A_182 = arith.constant 0 : i32
        %dma_start3A_183 = tpu.memref_slice %arg6[%add3A_181, %dma_start3A_182] : memref<40x64xi32, #tpu.memory_space<vmem>> -> memref<1x64xi32, #tpu.memory_space<vmem>>
        %dma_start3A_184 = tpu.memref_squeeze %dma_start3A_183 : memref<1x64xi32, #tpu.memory_space<vmem>> -> memref<64xi32, #tpu.memory_space<vmem>>
        %dma_start3A_185 = arith.constant 0 : i32
        %dma_start3A_186 = arith.constant 0 : i32
        %dma_start3A_187 = tpu.memref_slice %arg4[%dma_start3A_185, %dma_start3A_186] : memref<10000x128xf32, #tpu.memory_space<hbm>> -> memref<10000x128xf32, #tpu.memory_space<hbm>>
        tpu.enqueue_indirect_dma source(%dma_start3A_187 : memref<10000x128xf32, #tpu.memory_space<hbm>>) target(%arg11 : memref<64x128xf32, #tpu.memory_space<vmem>>) offsets(%dma_start3A_184 : memref<64xi32, #tpu.memory_space<vmem>>) semaphore(%arg16 : memref<!tpu.dma_semaphore, #tpu.memory_space<semaphore_mem>>)
      }
      %scan3A_74 = arith.constant 9 : i32
      %dma_wait3A = arith.constant 36 : i32
      %dma_wait3A_75 = arith.constant 0 : i32
      %dma_wait3A_76 = tpu.memref_slice %arg6[%dma_wait3A, %dma_wait3A_75] : memref<40x64xi32, #tpu.memory_space<vmem>> -> memref<1x64xi32, #tpu.memory_space<vmem>>
      %dma_wait3A_77 = tpu.memref_squeeze %dma_wait3A_76 : memref<1x64xi32, #tpu.memory_space<vmem>> -> memref<64xi32, #tpu.memory_space<vmem>>
      %dma_wait3A_78 = arith.constant 0 : i32
      %dma_wait3A_79 = arith.constant 0 : i32
      %dma_wait3A_80 = tpu.memref_slice %arg4[%dma_wait3A_78, %dma_wait3A_79] : memref<10000x128xf32, #tpu.memory_space<hbm>> -> memref<10000x128xf32, #tpu.memory_space<hbm>>
      tpu.wait_indirect_dma semaphore(%arg13 : memref<!tpu.dma_semaphore, #tpu.memory_space<semaphore_mem>>) src(%dma_wait3A_80 : memref<10000x128xf32, #tpu.memory_space<hbm>>) dst(%arg8 : memref<64x128xf32, #tpu.memory_space<vmem>>)
      %run_scoped3A = arith.constant 36 : i32
      "tpu.region"() ({
        %run_scoped3A_105 = tpu.sem_alloc : memref<!tpu.dma_semaphore, #tpu.memory_space<semaphore_mem>>
        %dma_start3A_106 = arith.constant 0 : i32
        %dma_start3A_107 = tpu.memref_slice %arg7[%run_scoped3A, %dma_start3A_106] : memref<40x64xi32, #tpu.memory_space<vmem>> -> memref<1x64xi32, #tpu.memory_space<vmem>>
        %dma_start3A_108 = tpu.memref_squeeze %dma_start3A_107 : memref<1x64xi32, #tpu.memory_space<vmem>> -> memref<64xi32, #tpu.memory_space<vmem>>
        %dma_start3A_109 = arith.constant 0 : i32
        %dma_start3A_110 = arith.constant 0 : i32
        %dma_start3A_111 = tpu.memref_slice %arg12[%dma_start3A_109, %dma_start3A_110] : memref<10112x128xf32, #tpu.memory_space<vmem_shared>> -> memref<10112x128xf32, #tpu.memory_space<vmem_shared>>
        tpu.enqueue_indirect_dma source(%arg8 : memref<64x128xf32, #tpu.memory_space<vmem>>) target(%dma_start3A_111 : memref<10112x128xf32, #tpu.memory_space<vmem_shared>>) offsets(%dma_start3A_108 : memref<64xi32, #tpu.memory_space<vmem>>) semaphore(%run_scoped3A_105 : memref<!tpu.dma_semaphore, #tpu.memory_space<semaphore_mem>>) {add = true}
        %dma_wait3A_112 = arith.constant 0 : i32
        %dma_wait3A_113 = tpu.memref_slice %arg7[%run_scoped3A, %dma_wait3A_112] : memref<40x64xi32, #tpu.memory_space<vmem>> -> memref<1x64xi32, #tpu.memory_space<vmem>>
        %dma_wait3A_114 = tpu.memref_squeeze %dma_wait3A_113 : memref<1x64xi32, #tpu.memory_space<vmem>> -> memref<64xi32, #tpu.memory_space<vmem>>
        %dma_wait3A_115 = arith.constant 0 : i32
        %dma_wait3A_116 = arith.constant 0 : i32
        %dma_wait3A_117 = tpu.memref_slice %arg12[%dma_wait3A_115, %dma_wait3A_116] : memref<10112x128xf32, #tpu.memory_space<vmem_shared>> -> memref<10112x128xf32, #tpu.memory_space<vmem_shared>>
        tpu.wait_indirect_dma semaphore(%run_scoped3A_105 : memref<!tpu.dma_semaphore, #tpu.memory_space<semaphore_mem>>) src(%arg8 : memref<64x128xf32, #tpu.memory_space<vmem>>) dst(%dma_wait3A_117 : memref<10112x128xf32, #tpu.memory_space<vmem_shared>>)
        tpu.yield
      }) : () -> ()
      %dma_wait3A_81 = arith.constant 37 : i32
      %dma_wait3A_82 = arith.constant 0 : i32
      %dma_wait3A_83 = tpu.memref_slice %arg6[%dma_wait3A_81, %dma_wait3A_82] : memref<40x64xi32, #tpu.memory_space<vmem>> -> memref<1x64xi32, #tpu.memory_space<vmem>>
      %dma_wait3A_84 = tpu.memref_squeeze %dma_wait3A_83 : memref<1x64xi32, #tpu.memory_space<vmem>> -> memref<64xi32, #tpu.memory_space<vmem>>
      %dma_wait3A_85 = arith.constant 0 : i32
      %dma_wait3A_86 = arith.constant 0 : i32
      %dma_wait3A_87 = tpu.memref_slice %arg4[%dma_wait3A_85, %dma_wait3A_86] : memref<10000x128xf32, #tpu.memory_space<hbm>> -> memref<10000x128xf32, #tpu.memory_space<hbm>>
      tpu.wait_indirect_dma semaphore(%arg14 : memref<!tpu.dma_semaphore, #tpu.memory_space<semaphore_mem>>) src(%dma_wait3A_87 : memref<10000x128xf32, #tpu.memory_space<hbm>>) dst(%arg9 : memref<64x128xf32, #tpu.memory_space<vmem>>)
      %run_scoped3A_88 = arith.constant 37 : i32
      "tpu.region"() ({
        %run_scoped3A_105 = tpu.sem_alloc : memref<!tpu.dma_semaphore, #tpu.memory_space<semaphore_mem>>
        %dma_start3A_106 = arith.constant 0 : i32
        %dma_start3A_107 = tpu.memref_slice %arg7[%run_scoped3A_88, %dma_start3A_106] : memref<40x64xi32, #tpu.memory_space<vmem>> -> memref<1x64xi32, #tpu.memory_space<vmem>>
        %dma_start3A_108 = tpu.memref_squeeze %dma_start3A_107 : memref<1x64xi32, #tpu.memory_space<vmem>> -> memref<64xi32, #tpu.memory_space<vmem>>
        %dma_start3A_109 = arith.constant 0 : i32
        %dma_start3A_110 = arith.constant 0 : i32
        %dma_start3A_111 = tpu.memref_slice %arg12[%dma_start3A_109, %dma_start3A_110] : memref<10112x128xf32, #tpu.memory_space<vmem_shared>> -> memref<10112x128xf32, #tpu.memory_space<vmem_shared>>
        tpu.enqueue_indirect_dma source(%arg9 : memref<64x128xf32, #tpu.memory_space<vmem>>) target(%dma_start3A_111 : memref<10112x128xf32, #tpu.memory_space<vmem_shared>>) offsets(%dma_start3A_108 : memref<64xi32, #tpu.memory_space<vmem>>) semaphore(%run_scoped3A_105 : memref<!tpu.dma_semaphore, #tpu.memory_space<semaphore_mem>>) {add = true}
        %dma_wait3A_112 = arith.constant 0 : i32
        %dma_wait3A_113 = tpu.memref_slice %arg7[%run_scoped3A_88, %dma_wait3A_112] : memref<40x64xi32, #tpu.memory_space<vmem>> -> memref<1x64xi32, #tpu.memory_space<vmem>>
        %dma_wait3A_114 = tpu.memref_squeeze %dma_wait3A_113 : memref<1x64xi32, #tpu.memory_space<vmem>> -> memref<64xi32, #tpu.memory_space<vmem>>
        %dma_wait3A_115 = arith.constant 0 : i32
        %dma_wait3A_116 = arith.constant 0 : i32
        %dma_wait3A_117 = tpu.memref_slice %arg12[%dma_wait3A_115, %dma_wait3A_116] : memref<10112x128xf32, #tpu.memory_space<vmem_shared>> -> memref<10112x128xf32, #tpu.memory_space<vmem_shared>>
        tpu.wait_indirect_dma semaphore(%run_scoped3A_105 : memref<!tpu.dma_semaphore, #tpu.memory_space<semaphore_mem>>) src(%arg9 : memref<64x128xf32, #tpu.memory_space<vmem>>) dst(%dma_wait3A_117 : memref<10112x128xf32, #tpu.memory_space<vmem_shared>>)
        tpu.yield
      }) : () -> ()
      %dma_wait3A_89 = arith.constant 38 : i32
      %dma_wait3A_90 = arith.constant 0 : i32
      %dma_wait3A_91 = tpu.memref_slice %arg6[%dma_wait3A_89, %dma_wait3A_90] : memref<40x64xi32, #tpu.memory_space<vmem>> -> memref<1x64xi32, #tpu.memory_space<vmem>>
      %dma_wait3A_92 = tpu.memref_squeeze %dma_wait3A_91 : memref<1x64xi32, #tpu.memory_space<vmem>> -> memref<64xi32, #tpu.memory_space<vmem>>
      %dma_wait3A_93 = arith.constant 0 : i32
      %dma_wait3A_94 = arith.constant 0 : i32
      %dma_wait3A_95 = tpu.memref_slice %arg4[%dma_wait3A_93, %dma_wait3A_94] : memref<10000x128xf32, #tpu.memory_space<hbm>> -> memref<10000x128xf32, #tpu.memory_space<hbm>>
      tpu.wait_indirect_dma semaphore(%arg15 : memref<!tpu.dma_semaphore, #tpu.memory_space<semaphore_mem>>) src(%dma_wait3A_95 : memref<10000x128xf32, #tpu.memory_space<hbm>>) dst(%arg10 : memref<64x128xf32, #tpu.memory_space<vmem>>)
      %run_scoped3A_96 = arith.constant 38 : i32
      "tpu.region"() ({
        %run_scoped3A_105 = tpu.sem_alloc : memref<!tpu.dma_semaphore, #tpu.memory_space<semaphore_mem>>
        %dma_start3A_106 = arith.constant 0 : i32
        %dma_start3A_107 = tpu.memref_slice %arg7[%run_scoped3A_96, %dma_start3A_106] : memref<40x64xi32, #tpu.memory_space<vmem>> -> memref<1x64xi32, #tpu.memory_space<vmem>>
        %dma_start3A_108 = tpu.memref_squeeze %dma_start3A_107 : memref<1x64xi32, #tpu.memory_space<vmem>> -> memref<64xi32, #tpu.memory_space<vmem>>
        %dma_start3A_109 = arith.constant 0 : i32
        %dma_start3A_110 = arith.constant 0 : i32
        %dma_start3A_111 = tpu.memref_slice %arg12[%dma_start3A_109, %dma_start3A_110] : memref<10112x128xf32, #tpu.memory_space<vmem_shared>> -> memref<10112x128xf32, #tpu.memory_space<vmem_shared>>
        tpu.enqueue_indirect_dma source(%arg10 : memref<64x128xf32, #tpu.memory_space<vmem>>) target(%dma_start3A_111 : memref<10112x128xf32, #tpu.memory_space<vmem_shared>>) offsets(%dma_start3A_108 : memref<64xi32, #tpu.memory_space<vmem>>) semaphore(%run_scoped3A_105 : memref<!tpu.dma_semaphore, #tpu.memory_space<semaphore_mem>>) {add = true}
        %dma_wait3A_112 = arith.constant 0 : i32
        %dma_wait3A_113 = tpu.memref_slice %arg7[%run_scoped3A_96, %dma_wait3A_112] : memref<40x64xi32, #tpu.memory_space<vmem>> -> memref<1x64xi32, #tpu.memory_space<vmem>>
        %dma_wait3A_114 = tpu.memref_squeeze %dma_wait3A_113 : memref<1x64xi32, #tpu.memory_space<vmem>> -> memref<64xi32, #tpu.memory_space<vmem>>
        %dma_wait3A_115 = arith.constant 0 : i32
        %dma_wait3A_116 = arith.constant 0 : i32
        %dma_wait3A_117 = tpu.memref_slice %arg12[%dma_wait3A_115, %dma_wait3A_116] : memref<10112x128xf32, #tpu.memory_space<vmem_shared>> -> memref<10112x128xf32, #tpu.memory_space<vmem_shared>>
        tpu.wait_indirect_dma semaphore(%run_scoped3A_105 : memref<!tpu.dma_semaphore, #tpu.memory_space<semaphore_mem>>) src(%arg10 : memref<64x128xf32, #tpu.memory_space<vmem>>) dst(%dma_wait3A_117 : memref<10112x128xf32, #tpu.memory_space<vmem_shared>>)
        tpu.yield
      }) : () -> ()
      %dma_wait3A_97 = arith.constant 39 : i32
      %dma_wait3A_98 = arith.constant 0 : i32
      %dma_wait3A_99 = tpu.memref_slice %arg6[%dma_wait3A_97, %dma_wait3A_98] : memref<40x64xi32, #tpu.memory_space<vmem>> -> memref<1x64xi32, #tpu.memory_space<vmem>>
      %dma_wait3A_100 = tpu.memref_squeeze %dma_wait3A_99 : memref<1x64xi32, #tpu.memory_space<vmem>> -> memref<64xi32, #tpu.memory_space<vmem>>
      %dma_wait3A_101 = arith.constant 0 : i32
      %dma_wait3A_102 = arith.constant 0 : i32
      %dma_wait3A_103 = tpu.memref_slice %arg4[%dma_wait3A_101, %dma_wait3A_102] : memref<10000x128xf32, #tpu.memory_space<hbm>> -> memref<10000x128xf32, #tpu.memory_space<hbm>>
      tpu.wait_indirect_dma semaphore(%arg16 : memref<!tpu.dma_semaphore, #tpu.memory_space<semaphore_mem>>) src(%dma_wait3A_103 : memref<10000x128xf32, #tpu.memory_space<hbm>>) dst(%arg11 : memref<64x128xf32, #tpu.memory_space<vmem>>)
      %run_scoped3A_104 = arith.constant 39 : i32
      "tpu.region"() ({
        %run_scoped3A_105 = tpu.sem_alloc : memref<!tpu.dma_semaphore, #tpu.memory_space<semaphore_mem>>
        %dma_start3A_106 = arith.constant 0 : i32
        %dma_start3A_107 = tpu.memref_slice %arg7[%run_scoped3A_104, %dma_start3A_106] : memref<40x64xi32, #tpu.memory_space<vmem>> -> memref<1x64xi32, #tpu.memory_space<vmem>>
        %dma_start3A_108 = tpu.memref_squeeze %dma_start3A_107 : memref<1x64xi32, #tpu.memory_space<vmem>> -> memref<64xi32, #tpu.memory_space<vmem>>
        %dma_start3A_109 = arith.constant 0 : i32
        %dma_start3A_110 = arith.constant 0 : i32
        %dma_start3A_111 = tpu.memref_slice %arg12[%dma_start3A_109, %dma_start3A_110] : memref<10112x128xf32, #tpu.memory_space<vmem_shared>> -> memref<10112x128xf32, #tpu.memory_space<vmem_shared>>
        tpu.enqueue_indirect_dma source(%arg11 : memref<64x128xf32, #tpu.memory_space<vmem>>) target(%dma_start3A_111 : memref<10112x128xf32, #tpu.memory_space<vmem_shared>>) offsets(%dma_start3A_108 : memref<64xi32, #tpu.memory_space<vmem>>) semaphore(%run_scoped3A_105 : memref<!tpu.dma_semaphore, #tpu.memory_space<semaphore_mem>>) {add = true}
        %dma_wait3A_112 = arith.constant 0 : i32
        %dma_wait3A_113 = tpu.memref_slice %arg7[%run_scoped3A_104, %dma_wait3A_112] : memref<40x64xi32, #tpu.memory_space<vmem>> -> memref<1x64xi32, #tpu.memory_space<vmem>>
        %dma_wait3A_114 = tpu.memref_squeeze %dma_wait3A_113 : memref<1x64xi32, #tpu.memory_space<vmem>> -> memref<64xi32, #tpu.memory_space<vmem>>
        %dma_wait3A_115 = arith.constant 0 : i32
        %dma_wait3A_116 = arith.constant 0 : i32
        %dma_wait3A_117 = tpu.memref_slice %arg12[%dma_wait3A_115, %dma_wait3A_116] : memref<10112x128xf32, #tpu.memory_space<vmem_shared>> -> memref<10112x128xf32, #tpu.memory_space<vmem_shared>>
        tpu.wait_indirect_dma semaphore(%run_scoped3A_105 : memref<!tpu.dma_semaphore, #tpu.memory_space<semaphore_mem>>) src(%arg11 : memref<64x128xf32, #tpu.memory_space<vmem>>) dst(%dma_wait3A_117 : memref<10112x128xf32, #tpu.memory_space<vmem_shared>>)
        tpu.yield
      }) : () -> ()
    }
    %scan3A_34 = arith.constant 4 : i32
    %barrier3A_35 = arith.constant 0 : index
    tpu.barrier barrier_id(%barrier3A_35)
    "tpu.region"() ({
      %run_scoped3A = tpu.sem_alloc : memref<!tpu.dma_semaphore, #tpu.memory_space<semaphore_mem>>
      %dma_start3A = arith.constant 0 : i32
      %dma_start3A_36 = tpu.memref_slice %arg5[%arg0, %mul3A_2, %dma_start3A] : memref<2x10112x128xf32, #tpu.memory_space<hbm>> -> memref<1x632x128xf32, #tpu.memory_space<hbm>>
      %dma_start3A_37 = tpu.memref_squeeze %dma_start3A_36 : memref<1x632x128xf32, #tpu.memory_space<hbm>> -> memref<632x128xf32, #tpu.memory_space<hbm>>
      %dma_start3A_38 = arith.constant 0 : i32
      %dma_start3A_39 = tpu.memref_slice %arg12[%mul3A_2, %dma_start3A_38] : memref<10112x128xf32, #tpu.memory_space<vmem_shared>> -> memref<632x128xf32, #tpu.memory_space<vmem_shared>>
      tpu.enqueue_dma source(%dma_start3A_39 : memref<632x128xf32, #tpu.memory_space<vmem_shared>>) target(%dma_start3A_37 : memref<632x128xf32, #tpu.memory_space<hbm>>) target_semaphore(%run_scoped3A : memref<!tpu.dma_semaphore, #tpu.memory_space<semaphore_mem>>)
      %dma_wait3A = arith.constant 0 : i32
      %dma_wait3A_40 = tpu.memref_slice %arg5[%arg0, %mul3A_2, %dma_wait3A] : memref<2x10112x128xf32, #tpu.memory_space<hbm>> -> memref<1x632x128xf32, #tpu.memory_space<hbm>>
      %dma_wait3A_41 = tpu.memref_squeeze %dma_wait3A_40 : memref<1x632x128xf32, #tpu.memory_space<hbm>> -> memref<632x128xf32, #tpu.memory_space<hbm>>
      %dma_wait3A_42 = arith.constant 0 : i32
      %dma_wait3A_43 = tpu.memref_slice %arg12[%mul3A_2, %dma_wait3A_42] : memref<10112x128xf32, #tpu.memory_space<vmem_shared>> -> memref<632x128xf32, #tpu.memory_space<vmem_shared>>
      tpu.wait_dma2 semaphore(%run_scoped3A : memref<!tpu.dma_semaphore, #tpu.memory_space<semaphore_mem>>) src(%dma_wait3A_43 : memref<632x128xf32, #tpu.memory_space<vmem_shared>>) dst(%dma_wait3A_41 : memref<632x128xf32, #tpu.memory_space<hbm>>)
      tpu.yield
    }) : () -> ()
    return
  }
}

#map = affine_map<(d0, d1) -> (0, 0)>
#map1 = affine_map<(d0, d1) -> (0)>
module attributes {stable_mosaic.version = 14 : i64} {
  func.func @_deg_body(%arg0: i32, %arg1: i32, %arg2: memref<2560x128xi32, #tpu.memory_space<hbm>>, %arg3: memref<128xf32, #tpu.memory_space<hbm>>, %arg4: memref<10112xf32, #tpu.memory_space<hbm>>, %arg5: memref<10112xf32, #tpu.memory_space<hbm>>, %arg6: memref<10112xf32, #tpu.memory_space<hbm>>, %arg7: memref<80x128xi32, #tpu.memory_space<vmem>>, %arg8: memref<128xf32, #tpu.memory_space<vmem>>, %arg9: memref<10112xf32, #tpu.memory_space<vmem_shared>>, %arg10: memref<!tpu.dma_semaphore, #tpu.memory_space<semaphore_mem>>) attributes {dimension_semantics = [#tpu.dimension_semantics<core_parallel>, #tpu.dimension_semantics<subcore_parallel>], iteration_bounds = array<i64: 2, 16>, scalar_prefetch = 0 : i64, scratch_operands = 4 : i64, tpu.core_type = #tpu.core_type<sc_vector_subcore>, window_params = [{transform_indices = #map}, {transform_indices = #map1}, {transform_indices = #map1}, {transform_indices = #map1}, {transform_indices = #map1}]} {
    %mul3A = arith.constant 16 : i32
    %mul3A_0 = arith.muli %arg0, %mul3A : i32
    %add3A = arith.addi %mul3A_0, %arg1 : i32
    %mul3A_1 = arith.constant 80 : i32
    %mul3A_2 = arith.muli %add3A, %mul3A_1 : i32
    "tpu.region"() ({
      %run_scoped3A = tpu.sem_alloc : memref<!tpu.dma_semaphore, #tpu.memory_space<semaphore_mem>>
      %dma_start3A = arith.constant 0 : i32
      %dma_start3A_32 = tpu.memref_slice %arg2[%mul3A_2, %dma_start3A] : memref<2560x128xi32, #tpu.memory_space<hbm>> -> memref<80x128xi32, #tpu.memory_space<hbm>>
      %dma_start3A_33 = arith.constant 0 : i32
      %dma_start3A_34 = tpu.memref_slice %arg2[%mul3A_2, %dma_start3A_33] : memref<2560x128xi32, #tpu.memory_space<hbm>> -> memref<80x128xi32, #tpu.memory_space<hbm>>
      tpu.enqueue_dma source(%dma_start3A_34 : memref<80x128xi32, #tpu.memory_space<hbm>>) target(%arg7 : memref<80x128xi32, #tpu.memory_space<vmem>>) target_semaphore(%run_scoped3A : memref<!tpu.dma_semaphore, #tpu.memory_space<semaphore_mem>>)
      %dma_wait3A = arith.constant 0 : i32
      %dma_wait3A_35 = tpu.memref_slice %arg2[%mul3A_2, %dma_wait3A] : memref<2560x128xi32, #tpu.memory_space<hbm>> -> memref<80x128xi32, #tpu.memory_space<hbm>>
      %dma_wait3A_36 = arith.constant 0 : i32
      %dma_wait3A_37 = tpu.memref_slice %arg2[%mul3A_2, %dma_wait3A_36] : memref<2560x128xi32, #tpu.memory_space<hbm>> -> memref<80x128xi32, #tpu.memory_space<hbm>>
      tpu.wait_dma2 semaphore(%run_scoped3A : memref<!tpu.dma_semaphore, #tpu.memory_space<semaphore_mem>>) src(%dma_wait3A_37 : memref<80x128xi32, #tpu.memory_space<hbm>>) dst(%arg7 : memref<80x128xi32, #tpu.memory_space<vmem>>)
      tpu.yield
    }) : () -> ()
    "tpu.region"() ({
      %run_scoped3A = tpu.sem_alloc : memref<!tpu.dma_semaphore, #tpu.memory_space<semaphore_mem>>
      tpu.enqueue_dma source(%arg3 : memref<128xf32, #tpu.memory_space<hbm>>) target(%arg8 : memref<128xf32, #tpu.memory_space<vmem>>) target_semaphore(%run_scoped3A : memref<!tpu.dma_semaphore, #tpu.memory_space<semaphore_mem>>)
      tpu.wait_dma2 semaphore(%run_scoped3A : memref<!tpu.dma_semaphore, #tpu.memory_space<semaphore_mem>>) src(%arg3 : memref<128xf32, #tpu.memory_space<hbm>>) dst(%arg8 : memref<128xf32, #tpu.memory_space<vmem>>)
      tpu.yield
    }) : () -> ()
    %eq3A = arith.constant 0 : i32
    %eq3A_3 = arith.cmpi eq, %arg1, %eq3A : i32
    %convert_element_type3A = arith.extui %eq3A_3 : i1 to i32
    %cond3A = arith.constant 0 : i32
    %cond3A_4 = arith.cmpi ne, %convert_element_type3A, %cond3A : i32
    scf.if %cond3A_4 {
      "tpu.region"() ({
        %run_scoped3A = tpu.sem_alloc : memref<!tpu.dma_semaphore, #tpu.memory_space<semaphore_mem>>
        tpu.enqueue_dma source(%arg4 : memref<10112xf32, #tpu.memory_space<hbm>>) target(%arg9 : memref<10112xf32, #tpu.memory_space<vmem_shared>>) target_semaphore(%run_scoped3A : memref<!tpu.dma_semaphore, #tpu.memory_space<semaphore_mem>>)
        tpu.wait_dma2 semaphore(%run_scoped3A : memref<!tpu.dma_semaphore, #tpu.memory_space<semaphore_mem>>) src(%arg4 : memref<10112xf32, #tpu.memory_space<hbm>>) dst(%arg9 : memref<10112xf32, #tpu.memory_space<vmem_shared>>)
        tpu.yield
      }) : () -> ()
    } else {
    }
    %barrier3A = arith.constant 0 : index
    tpu.barrier barrier_id(%barrier3A)
    %scan3A = arith.constant 0 : i32
    %scan3A_5 = arith.constant 0 : i32
    %scan3A_6 = arith.constant 80 : i32
    %scan3A_7 = arith.addi %scan3A_5, %scan3A_6 : i32
    %scan3A_8 = arith.constant 1 : i32
    scf.for %scan3A_32 = %scan3A_5 to %scan3A_7 step %scan3A_8  : i32 {
      %dma_start3A = arith.constant 0 : i32
      %dma_start3A_33 = tpu.memref_slice %arg7[%scan3A_32, %dma_start3A] : memref<80x128xi32, #tpu.memory_space<vmem>> -> memref<1x128xi32, #tpu.memory_space<vmem>>
      %dma_start3A_34 = tpu.memref_squeeze %dma_start3A_33 : memref<1x128xi32, #tpu.memory_space<vmem>> -> memref<128xi32, #tpu.memory_space<vmem>>
      %dma_start3A_35 = arith.constant 0 : i32
      %dma_start3A_36 = tpu.memref_slice %arg9[%dma_start3A_35] : memref<10112xf32, #tpu.memory_space<vmem_shared>> -> memref<10112xf32, #tpu.memory_space<vmem_shared>>
      tpu.enqueue_indirect_dma source(%arg8 : memref<128xf32, #tpu.memory_space<vmem>>) target(%dma_start3A_36 : memref<10112xf32, #tpu.memory_space<vmem_shared>>) offsets(%dma_start3A_34 : memref<128xi32, #tpu.memory_space<vmem>>) semaphore(%arg10 : memref<!tpu.dma_semaphore, #tpu.memory_space<semaphore_mem>>) {add = true}
    }
    %scan3A_9 = arith.constant 80 : i32
    %scan3A_10 = arith.constant 0 : i32
    %scan3A_11 = arith.constant 0 : i32
    %scan3A_12 = arith.constant 80 : i32
    %scan3A_13 = arith.addi %scan3A_11, %scan3A_12 : i32
    %scan3A_14 = arith.constant 1 : i32
    scf.for %scan3A_32 = %scan3A_11 to %scan3A_13 step %scan3A_14  : i32 {
      %dma_wait3A = arith.constant 0 : i32
      %dma_wait3A_33 = tpu.memref_slice %arg7[%scan3A_32, %dma_wait3A] : memref<80x128xi32, #tpu.memory_space<vmem>> -> memref<1x128xi32, #tpu.memory_space<vmem>>
      %dma_wait3A_34 = tpu.memref_squeeze %dma_wait3A_33 : memref<1x128xi32, #tpu.memory_space<vmem>> -> memref<128xi32, #tpu.memory_space<vmem>>
      %dma_wait3A_35 = arith.constant 0 : i32
      %dma_wait3A_36 = tpu.memref_slice %arg9[%dma_wait3A_35] : memref<10112xf32, #tpu.memory_space<vmem_shared>> -> memref<10112xf32, #tpu.memory_space<vmem_shared>>
      tpu.wait_indirect_dma semaphore(%arg10 : memref<!tpu.dma_semaphore, #tpu.memory_space<semaphore_mem>>) src(%arg8 : memref<128xf32, #tpu.memory_space<vmem>>) dst(%dma_wait3A_36 : memref<10112xf32, #tpu.memory_space<vmem_shared>>)
    }
    %scan3A_15 = arith.constant 80 : i32
    %barrier3A_16 = arith.constant 0 : index
    tpu.barrier barrier_id(%barrier3A_16)
    %eq3A_17 = arith.constant 0 : i32
    %eq3A_18 = arith.cmpi eq, %arg1, %eq3A_17 : i32
    %eq3A_19 = arith.constant 0 : i32
    %eq3A_20 = arith.cmpi eq, %arg0, %eq3A_19 : i32
    %and3A = arith.andi %eq3A_18, %eq3A_20 : i1
    %convert_element_type3A_21 = arith.extui %and3A : i1 to i32
    %cond3A_22 = arith.constant 0 : i32
    %cond3A_23 = arith.cmpi ne, %convert_element_type3A_21, %cond3A_22 : i32
    scf.if %cond3A_23 {
      "tpu.region"() ({
        %run_scoped3A = tpu.sem_alloc : memref<!tpu.dma_semaphore, #tpu.memory_space<semaphore_mem>>
        tpu.enqueue_dma source(%arg9 : memref<10112xf32, #tpu.memory_space<vmem_shared>>) target(%arg5 : memref<10112xf32, #tpu.memory_space<hbm>>) target_semaphore(%run_scoped3A : memref<!tpu.dma_semaphore, #tpu.memory_space<semaphore_mem>>)
        tpu.wait_dma2 semaphore(%run_scoped3A : memref<!tpu.dma_semaphore, #tpu.memory_space<semaphore_mem>>) src(%arg9 : memref<10112xf32, #tpu.memory_space<vmem_shared>>) dst(%arg5 : memref<10112xf32, #tpu.memory_space<hbm>>)
        tpu.yield
      }) : () -> ()
    } else {
    }
    %eq3A_24 = arith.constant 0 : i32
    %eq3A_25 = arith.cmpi eq, %arg1, %eq3A_24 : i32
    %eq3A_26 = arith.constant 1 : i32
    %eq3A_27 = arith.cmpi eq, %arg0, %eq3A_26 : i32
    %and3A_28 = arith.andi %eq3A_25, %eq3A_27 : i1
    %convert_element_type3A_29 = arith.extui %and3A_28 : i1 to i32
    %cond3A_30 = arith.constant 0 : i32
    %cond3A_31 = arith.cmpi ne, %convert_element_type3A_29, %cond3A_30 : i32
    scf.if %cond3A_31 {
      "tpu.region"() ({
        %run_scoped3A = tpu.sem_alloc : memref<!tpu.dma_semaphore, #tpu.memory_space<semaphore_mem>>
        tpu.enqueue_dma source(%arg9 : memref<10112xf32, #tpu.memory_space<vmem_shared>>) target(%arg6 : memref<10112xf32, #tpu.memory_space<hbm>>) target_semaphore(%run_scoped3A : memref<!tpu.dma_semaphore, #tpu.memory_space<semaphore_mem>>)
        tpu.wait_dma2 semaphore(%run_scoped3A : memref<!tpu.dma_semaphore, #tpu.memory_space<semaphore_mem>>) src(%arg9 : memref<10112xf32, #tpu.memory_space<vmem_shared>>) dst(%arg6 : memref<10112xf32, #tpu.memory_space<hbm>>)
        tpu.yield
      }) : () -> ()
    } else {
    }
    return
  }
}

module attributes {stable_mosaic.version = 14 : i64} {
  func.func @_scale_body(%arg0: i32, %arg1: memref<1000x128xf32, #tpu.memory_space<vmem>>, %arg2: memref<1000x1xf32, #tpu.memory_space<vmem>>, %arg3: memref<1000x1xf32, #tpu.memory_space<vmem>>, %arg4: memref<1000x128xf32, #tpu.memory_space<vmem>>) attributes {dimension_semantics = [#tpu.dimension_semantics<arbitrary>], iteration_bounds = array<i64: 10>, scalar_prefetch = 0 : i64, scratch_operands = 0 : i64, tpu.core_type = #tpu.core_type<tc>, window_params = [{transform_indices = @transform_0, window_bounds = array<i64: 1000, 128>}, {transform_indices = @transform_1, window_bounds = array<i64: 1000, 1>}, {transform_indices = @transform_2, window_bounds = array<i64: 1000, 1>}, {transform_indices = @transform_3, window_bounds = array<i64: 1000, 128>}]} {
    %get3A = arith.constant 0 : index
    %get3A_0 = arith.constant 0 : index
    %get3A_1 = vector.load %arg2[%get3A, %get3A_0] : memref<1000x1xf32, #tpu.memory_space<vmem>>, vector<1000x1xf32>
    %get3A_2 = arith.constant 0 : index
    %get3A_3 = arith.constant 0 : index
    %get3A_4 = vector.load %arg3[%get3A_2, %get3A_3] : memref<1000x1xf32, #tpu.memory_space<vmem>>, vector<1000x1xf32>
    %add3A = arith.addf %get3A_1, %get3A_4 : vector<1000x1xf32>
    %max3A = arith.constant 1.000000e+00 : f32
    %max3A_5 = vector.broadcast %max3A : f32 to vector<1000x1xf32>
    %max3A_6 = arith.maximumf %add3A, %max3A_5 : vector<1000x1xf32>
    %rsqrt3A = math.rsqrt %max3A_6 : vector<1000x1xf32>
    %get3A_7 = arith.constant 0 : index
    %get3A_8 = arith.constant 0 : index
    %get3A_9 = vector.load %arg1[%get3A_7, %get3A_8] : memref<1000x128xf32, #tpu.memory_space<vmem>>, vector<1000x128xf32>
    %mul3A = vector.broadcast %rsqrt3A : vector<1000x1xf32> to vector<1000x128xf32>
    %mul3A_10 = arith.mulf %get3A_9, %mul3A : vector<1000x128xf32>
    %swap3A = arith.constant 0 : index
    %swap3A_11 = arith.constant 0 : index
    %swap3A_12 = vector.load %arg4[%swap3A, %swap3A_11] : memref<1000x128xf32, #tpu.memory_space<vmem>>, vector<1000x128xf32>
    tpu.vector_store %arg4[%swap3A, %swap3A_11], %mul3A_10 {strides = array<i32>} : memref<1000x128xf32, #tpu.memory_space<vmem>>, vector<1000x128xf32>,
    return
  }
  func.func @transform_0(%arg0: i32) -> (i32, i32) {
    %c0_i32 = arith.constant 0 : i32
    %c0_i32_0 = arith.constant 0 : i32
    return %arg0, %c0_i32 : i32, i32
  }
  func.func @transform_1(%arg0: i32) -> (i32, i32) {
    %c0_i32 = arith.constant 0 : i32
    %c0_i32_0 = arith.constant 0 : i32
    return %arg0, %c0_i32 : i32, i32
  }
  func.func @transform_2(%arg0: i32) -> (i32, i32) {
    %c0_i32 = arith.constant 0 : i32
    %c0_i32_0 = arith.constant 0 : i32
    return %arg0, %c0_i32 : i32, i32
  }
  func.func @transform_3(%arg0: i32) -> (i32, i32) {
    %c0_i32 = arith.constant 0 : i32
    %c0_i32_0 = arith.constant 0 : i32
    return %arg0, %c0_i32 : i32, i32
  }
}

module attributes {stable_mosaic.version = 14 : i64} {
  func.func @_final_body(%arg0: i32, %arg1: memref<1000x128xf32, #tpu.memory_space<vmem>>, %arg2: memref<1000x128xf32, #tpu.memory_space<vmem>>, %arg3: memref<1000x1xf32, #tpu.memory_space<vmem>>, %arg4: memref<1000x1xf32, #tpu.memory_space<vmem>>, %arg5: memref<128x128xf32, #tpu.memory_space<vmem>>, %arg6: memref<1x128xf32, #tpu.memory_space<vmem>>, %arg7: memref<128x1000xf32, #tpu.memory_space<vmem>>, %arg8: memref<1x1000xf32, #tpu.memory_space<vmem>>, %arg9: memref<1000x1000xf32, #tpu.memory_space<vmem>>, %arg10: memref<1x1000xf32, #tpu.memory_space<vmem>>, %arg11: memref<1x1000xf32, #tpu.memory_space<vmem>>, %arg12: memref<8x128xf32, #tpu.memory_space<vmem>>) attributes {dimension_semantics = [#tpu.dimension_semantics<arbitrary>], iteration_bounds = array<i64: 10>, scalar_prefetch = 0 : i64, scratch_operands = 1 : i64, tpu.core_type = #tpu.core_type<tc>, window_params = [{transform_indices = @transform_0, window_bounds = array<i64: 1000, 128>}, {transform_indices = @transform_1, window_bounds = array<i64: 1000, 128>}, {transform_indices = @transform_2, window_bounds = array<i64: 1000, 1>}, {transform_indices = @transform_3, window_bounds = array<i64: 1000, 1>}, {pipeline_mode = #tpu.pipeline_mode<synchronous>, transform_indices = @transform_4, window_bounds = array<i64: 128, 128>}, {pipeline_mode = #tpu.pipeline_mode<synchronous>, transform_indices = @transform_5, window_bounds = array<i64: 1, 128>}, {pipeline_mode = #tpu.pipeline_mode<synchronous>, transform_indices = @transform_6, window_bounds = array<i64: 128, 1000>}, {pipeline_mode = #tpu.pipeline_mode<synchronous>, transform_indices = @transform_7, window_bounds = array<i64: 1, 1000>}, {pipeline_mode = #tpu.pipeline_mode<synchronous>, transform_indices = @transform_8, window_bounds = array<i64: 1000, 1000>}, {pipeline_mode = #tpu.pipeline_mode<synchronous>, transform_indices = @transform_9, window_bounds = array<i64: 1, 1000>}, {pipeline_mode = #tpu.pipeline_mode<synchronous>, transform_indices = @transform_10, window_bounds = array<i64: 1, 1000>}]} {
    %get3A = arith.constant 0 : index
    %get3A_0 = arith.constant 0 : index
    %get3A_1 = vector.load %arg3[%get3A, %get3A_0] : memref<1000x1xf32, #tpu.memory_space<vmem>>, vector<1000x1xf32>
    %get3A_2 = arith.constant 0 : index
    %get3A_3 = arith.constant 0 : index
    %get3A_4 = vector.load %arg4[%get3A_2, %get3A_3] : memref<1000x1xf32, #tpu.memory_space<vmem>>, vector<1000x1xf32>
    %add3A = arith.addf %get3A_1, %get3A_4 : vector<1000x1xf32>
    %max3A = arith.constant 1.000000e+00 : f32
    %max3A_5 = vector.broadcast %max3A : f32 to vector<1000x1xf32>
    %max3A_6 = arith.maximumf %add3A, %max3A_5 : vector<1000x1xf32>
    %rsqrt3A = math.rsqrt %max3A_6 : vector<1000x1xf32>
    %get3A_7 = arith.constant 0 : index
    %get3A_8 = arith.constant 0 : index
    %get3A_9 = vector.load %arg1[%get3A_7, %get3A_8] : memref<1000x128xf32, #tpu.memory_space<vmem>>, vector<1000x128xf32>
    %get3A_10 = arith.constant 0 : index
    %get3A_11 = arith.constant 0 : index
    %get3A_12 = vector.load %arg2[%get3A_10, %get3A_11] : memref<1000x128xf32, #tpu.memory_space<vmem>>, vector<1000x128xf32>
    %add3A_13 = arith.addf %get3A_9, %get3A_12 : vector<1000x128xf32>
    %mul3A = vector.broadcast %rsqrt3A : vector<1000x1xf32> to vector<1000x128xf32>
    %mul3A_14 = arith.mulf %add3A_13, %mul3A : vector<1000x128xf32>
    %get3A_15 = arith.constant 0 : index
    %get3A_16 = arith.constant 0 : index
    %get3A_17 = vector.load %arg5[%get3A_15, %get3A_16] : memref<128x128xf32, #tpu.memory_space<vmem>>, vector<128x128xf32>
    %dot_general3A = arith.constant dense<0.000000e+00> : vector<1000x128xf32>
    %dot_general3A_18 = tpu.matmul %mul3A_14, %get3A_17, %dot_general3A {dimension_numbers = #tpu.dot_dimension_numbers<[1], [0], [0], [1], [0, 0, 1, 1], [], []>, transpose_lhs_hint = false} : vector<1000x128xf32>, vector<128x128xf32>, vector<1000x128xf32> -> vector<1000x128xf32>
    %get3A_19 = arith.constant 0 : index
    %get3A_20 = arith.constant 0 : index
    %get3A_21 = vector.load %arg6[%get3A_19, %get3A_20] : memref<1x128xf32, #tpu.memory_space<vmem>>, vector<1x128xf32>
    %add3A_22 = vector.broadcast %get3A_21 : vector<1x128xf32> to vector<1000x128xf32>
    %add3A_23 = arith.addf %dot_general3A_18, %add3A_22 : vector<1000x128xf32>
    %max3A_24 = arith.constant 0.000000e+00 : f32
    %max3A_25 = vector.broadcast %max3A_24 : f32 to vector<1000x128xf32>
    %max3A_26 = arith.maximumf %add3A_23, %max3A_25 : vector<1000x128xf32>
    %reduce_sum3A = arith.constant dense<0.000000e+00> : vector<128xf32>
    %reduce_sum3A_27 = vector.multi_reduction <add>, %max3A_26, %reduce_sum3A [0] : vector<1000x128xf32> to vector<128xf32>
    %broadcast_in_dim3A = vector.shape_cast %reduce_sum3A_27 : vector<128xf32> to vector<1x128xf32>
    %eq3A = arith.constant 0 : i32
    %eq3A_28 = arith.cmpi eq, %arg0, %eq3A : i32
    %convert_element_type3A = arith.extui %eq3A_28 : i1 to i32
    %cond3A = arith.constant 0 : i32
    %cond3A_29 = arith.cmpi ne, %convert_element_type3A, %cond3A : i32
    scf.if %cond3A_29 {
      %swap3A = arith.constant 0 : index
      %swap3A_39 = arith.constant 0 : index
      %swap3A_40 = vector.load %arg12[%swap3A, %swap3A_39] : memref<8x128xf32, #tpu.memory_space<vmem>>, vector<1x128xf32>
      tpu.vector_store %arg12[%swap3A, %swap3A_39], %broadcast_in_dim3A {strides = array<i32>} : memref<8x128xf32, #tpu.memory_space<vmem>>, vector<1x128xf32>,
    } else {
    }
    %gt3A = arith.constant 0 : i32
    %gt3A_30 = arith.cmpi sgt, %arg0, %gt3A : i32
    %convert_element_type3A_31 = arith.extui %gt3A_30 : i1 to i32
    %cond3A_32 = arith.constant 0 : i32
    %cond3A_33 = arith.cmpi ne, %convert_element_type3A_31, %cond3A_32 : i32
    scf.if %cond3A_33 {
      %get3A_39 = arith.constant 0 : index
      %get3A_40 = arith.constant 0 : index
      %get3A_41 = vector.load %arg12[%get3A_39, %get3A_40] : memref<8x128xf32, #tpu.memory_space<vmem>>, vector<1x128xf32>
      %add3A_42 = arith.addf %get3A_41, %broadcast_in_dim3A : vector<1x128xf32>
      %swap3A = arith.constant 0 : index
      %swap3A_43 = arith.constant 0 : index
      %swap3A_44 = vector.load %arg12[%swap3A, %swap3A_43] : memref<8x128xf32, #tpu.memory_space<vmem>>, vector<1x128xf32>
      tpu.vector_store %arg12[%swap3A, %swap3A_43], %add3A_42 {strides = array<i32>} : memref<8x128xf32, #tpu.memory_space<vmem>>, vector<1x128xf32>,
    } else {
    }
    %eq3A_34 = arith.constant 9 : i32
    %eq3A_35 = arith.cmpi eq, %arg0, %eq3A_34 : i32
    %convert_element_type3A_36 = arith.extui %eq3A_35 : i1 to i32
    %cond3A_37 = arith.constant 0 : i32
    %cond3A_38 = arith.cmpi ne, %convert_element_type3A_36, %cond3A_37 : i32
    scf.if %cond3A_38 {
      %get3A_39 = arith.constant 0 : index
      %get3A_40 = arith.constant 0 : index
      %get3A_41 = vector.load %arg12[%get3A_39, %get3A_40] : memref<8x128xf32, #tpu.memory_space<vmem>>, vector<1x128xf32>
      %mul3A_42 = arith.constant 9.99999974E-5 : f32
      %mul3A_43 = vector.broadcast %mul3A_42 : f32 to vector<1x128xf32>
      %mul3A_44 = arith.mulf %get3A_41, %mul3A_43 : vector<1x128xf32>
      %get3A_45 = arith.constant 0 : index
      %get3A_46 = arith.constant 0 : index
      %get3A_47 = vector.load %arg7[%get3A_45, %get3A_46] : memref<128x1000xf32, #tpu.memory_space<vmem>>, vector<128x1000xf32>
      %dot_general3A_48 = arith.constant dense<0.000000e+00> : vector<1x1000xf32>
      %dot_general3A_49 = tpu.matmul %mul3A_44, %get3A_47, %dot_general3A_48 {dimension_numbers = #tpu.dot_dimension_numbers<[1], [0], [0], [1], [0, 0, 1, 1], [], []>, transpose_lhs_hint = false} : vector<1x128xf32>, vector<128x1000xf32>, vector<1x1000xf32> -> vector<1x1000xf32>
      %get3A_50 = arith.constant 0 : index
      %get3A_51 = arith.constant 0 : index
      %get3A_52 = vector.load %arg8[%get3A_50, %get3A_51] : memref<1x1000xf32, #tpu.memory_space<vmem>>, vector<1x1000xf32>
      %add3A_53 = arith.addf %dot_general3A_49, %get3A_52 : vector<1x1000xf32>
      %get3A_54 = arith.constant 0 : index
      %get3A_55 = arith.constant 0 : index
      %get3A_56 = vector.load %arg9[%get3A_54, %get3A_55] : memref<1000x1000xf32, #tpu.memory_space<vmem>>, vector<1000x1000xf32>
      %dot_general3A_57 = arith.constant dense<0.000000e+00> : vector<1x1000xf32>
      %dot_general3A_58 = tpu.matmul %add3A_53, %get3A_56, %dot_general3A_57 {dimension_numbers = #tpu.dot_dimension_numbers<[1], [0], [0], [1], [0, 0, 1, 1], [], []>, transpose_lhs_hint = false} : vector<1x1000xf32>, vector<1000x1000xf32>, vector<1x1000xf32> -> vector<1x1000xf32>
      %get3A_59 = arith.constant 0 : index
      %get3A_60 = arith.constant 0 : index
      %get3A_61 = vector.load %arg10[%get3A_59, %get3A_60] : memref<1x1000xf32, #tpu.memory_space<vmem>>, vector<1x1000xf32>
      %add3A_62 = arith.addf %dot_general3A_58, %get3A_61 : vector<1x1000xf32>
      %reduce_max3A = vector.shape_cast %add3A_62 : vector<1x1000xf32> to vector<1x1x1000xf32>
      %reduce_max3A_63 = arith.constant dense<0xFF800000> : vector<1xf32>
      %reduce_max3A_64 = vector.multi_reduction <maximumf>, %reduce_max3A, %reduce_max3A_63 [1, 2] : vector<1x1x1000xf32> to vector<1xf32>
      %reduce_max3A_65 = vector.shape_cast %reduce_max3A_64 : vector<1xf32> to vector<1x1x1xf32>
      %reduce_max3A_66 = vector.extract %reduce_max3A_65[0, 0, 0] : f32 from vector<1x1x1xf32>
      %sub3A = vector.broadcast %reduce_max3A_66 : f32 to vector<1x1000xf32>
      %sub3A_67 = arith.subf %add3A_62, %sub3A : vector<1x1000xf32>
      %exp3A = math.exp %sub3A_67 : vector<1x1000xf32>
      %reduce_sum3A_68 = vector.shape_cast %exp3A : vector<1x1000xf32> to vector<1x1x1000xf32>
      %reduce_sum3A_69 = arith.constant dense<0.000000e+00> : vector<1xf32>
      %reduce_sum3A_70 = vector.multi_reduction <add>, %reduce_sum3A_68, %reduce_sum3A_69 [1, 2] : vector<1x1x1000xf32> to vector<1xf32>
      %reduce_sum3A_71 = vector.shape_cast %reduce_sum3A_70 : vector<1xf32> to vector<1x1x1xf32>
      %reduce_sum3A_72 = vector.extract %reduce_sum3A_71[0, 0, 0] : f32 from vector<1x1x1xf32>
      %log3A = math.log %reduce_sum3A_72 : f32
      %add3A_73 = arith.addf %reduce_max3A_66, %log3A : f32
      %sub3A_74 = vector.broadcast %add3A_73 : f32 to vector<1x1000xf32>
      %sub3A_75 = arith.subf %add3A_62, %sub3A_74 : vector<1x1000xf32>
      %swap3A = arith.constant 0 : index
      %swap3A_76 = arith.constant 0 : index
      %swap3A_77 = vector.load %arg11[%swap3A, %swap3A_76] : memref<1x1000xf32, #tpu.memory_space<vmem>>, vector<1x1000xf32>
      tpu.vector_store %arg11[%swap3A, %swap3A_76], %sub3A_75 {strides = array<i32>} : memref<1x1000xf32, #tpu.memory_space<vmem>>, vector<1x1000xf32>,
    } else {
    }
    return
  }
  func.func @transform_0(%arg0: i32) -> (i32, i32) {
    %c0_i32 = arith.constant 0 : i32
    %c0_i32_0 = arith.constant 0 : i32
    return %arg0, %c0_i32 : i32, i32
  }
  func.func @transform_1(%arg0: i32) -> (i32, i32) {
    %c0_i32 = arith.constant 0 : i32
    %c0_i32_0 = arith.constant 0 : i32
    return %arg0, %c0_i32 : i32, i32
  }
  func.func @transform_2(%arg0: i32) -> (i32, i32) {
    %c0_i32 = arith.constant 0 : i32
    %c0_i32_0 = arith.constant 0 : i32
    return %arg0, %c0_i32 : i32, i32
  }
  func.func @transform_3(%arg0: i32) -> (i32, i32) {
    %c0_i32 = arith.constant 0 : i32
    %c0_i32_0 = arith.constant 0 : i32
    return %arg0, %c0_i32 : i32, i32
  }
  func.func @transform_4(%arg0: i32) -> (i32, i32) {
    %c0_i32 = arith.constant 0 : i32
    %c0_i32_0 = arith.constant 0 : i32
    %c0_i32_1 = arith.constant 0 : i32
    return %c0_i32, %c0_i32_0 : i32, i32
  }
  func.func @transform_5(%arg0: i32) -> (i32, i32) {
    %c0_i32 = arith.constant 0 : i32
    %c0_i32_0 = arith.constant 0 : i32
    %c0_i32_1 = arith.constant 0 : i32
    return %c0_i32, %c0_i32_0 : i32, i32
  }
  func.func @transform_6(%arg0: i32) -> (i32, i32) {
    %c0_i32 = arith.constant 0 : i32
    %c0_i32_0 = arith.constant 0 : i32
    %c0_i32_1 = arith.constant 0 : i32
    return %c0_i32, %c0_i32_0 : i32, i32
  }
  func.func @transform_7(%arg0: i32) -> (i32, i32) {
    %c0_i32 = arith.constant 0 : i32
    %c0_i32_0 = arith.constant 0 : i32
    %c0_i32_1 = arith.constant 0 : i32
    return %c0_i32, %c0_i32_0 : i32, i32
  }
  func.func @transform_8(%arg0: i32) -> (i32, i32) {
    %c0_i32 = arith.constant 0 : i32
    %c0_i32_0 = arith.constant 0 : i32
    %c0_i32_1 = arith.constant 0 : i32
    return %c0_i32, %c0_i32_0 : i32, i32
  }
  func.func @transform_9(%arg0: i32) -> (i32, i32) {
    %c0_i32 = arith.constant 0 : i32
    %c0_i32_0 = arith.constant 0 : i32
    %c0_i32_1 = arith.constant 0 : i32
    return %c0_i32, %c0_i32_0 : i32, i32
  }
  func.func @transform_10(%arg0: i32) -> (i32, i32) {
    %c0_i32 = arith.constant 0 : i32
    %c0_i32_0 = arith.constant 0 : i32
    %c0_i32_1 = arith.constant 0 : i32
    return %c0_i32, %c0_i32_0 : i32, i32
  }
}

</mosaic_0001>

<sc_bundles>
// kernel: kernel.6.cloned.1.call-start
scs
__scs_entry_jumppad:
0x0: {  	(pc) =	sbr.rel $0x88, $3  }
0x1: {  	(tag) =	ssettag $0x0;
	lr =	simm.s32 $0x1  }
0x2: {  	[smem:$0x3F99] =	sst lr;
	_ =	strace $0xD0000000  }
0x3: {  	_ = 	snop  }
0x4: {  	_ = 	snop  }
0x5: {  	_ = 	snop  }
0x6: {  	_ = 	snop  }
0x7: {  	_ = 	snop  }
__scs_overlays_trampoline_lowered:
0x8: {  	[smem:$0x3FA8] =	sst s0  }
0x9: {  	[smem:$0x3FA9] =	sst s1  }
0xa: {  	[smem:$0x3FAA] =	sst s2  }
0xb: {  	[smem:$0x3FAB] =	sst s3  }
0xc: {  	[smem:$0x3FAC] =	sst s4  }
0xd: {  	[smem:$0x3FAD] =	sst s5  }
0xe: {  	[smem:$0x3FAE] =	sst s6  }
0xf: {  	[smem:$0x3FAF] =	sst s7  }
0x10: {  	[smem:$0x3FB0] =	sst s8  }
0x11: {  	[smem:$0x3FB1] =	sst s9;
	s0 =	simm.s32 @!p0 $0x0  }
0x12: {  	s1 =	sld [smem:$0x3F97];
	s0 =	simm.s32 @p0 $0x1  }
0x13: {  	[smem:$0x3FB2] =	sst s0;
	s0 =	simm.s32 @!p1 $0x0  }
0x14: {  	s2 =	sld [smem:$0x3F96];
	s0 =	simm.s32 @p1 $0x1  }
0x15: {  	[smem:$0x3FB3] =	sst s0;
	s0 =	simm.s32 @!p2 $0x0  }
0x16: {  	s3 =	sld [smem:$0x3FDB];
	s0 =	simm.s32 @p2 $0x1  }
0x17: {  	s4 =	simm.s32 $0x1BF5;
	[smem:$0x3FB5] =	sst s0  }
0x18: {  	s0 =	sld [smem:$0x3F98];
	_ =	swait.ge [sflag:s4], $0x0  }
0x19: {  	s7 =	sld [smem:$0x3F99]  }
0x1a: {  	s8 =	sadd.s32 $0xFFFFE003, lr  }
0x1b: {  	s9 =	sadd.s32 $0xFFFFFEF7, lr;
	s5 =	simm.s32 $0xFFFFFFFF;
	p2 =	slt.u32 s8, $0xFFFFF086  }
0x1c: {  	p1 =	slt.u32 s9, $0xF7A;
	s5 =	simm.s32 @!p2 $0x0  }
0x1d: {  	s5 =	simm.s32 @p1 $0x1;
	p0 =	seq.s32 s7, s2  }
0x1e: {  	s7 =	smul.u32 @!p0 $0xF7A, s2;
	p2 =	seq.s32 @!p0 s5, $0x0  }
0x1f: {  	s9 =	smul.u32 $0xF7A, s1;
	s8 =	simm.s32 @!p0 $0x1BF5;
	p2 =	por !p2, p0  }
0x20: {  	[sflag:s8] =	ssyncset.s32 @!p0 $0xFFFFF086;
	s6 =	sadd.s32 @!p0 s3, s7;
	s7 =	simm.s32 @!p0 $0x108  }
0x21: {  	s3 =	sadd.s32 s3, s9;
	s6 =	sadd.s32 @!p0 $0x88, s6;
	s7 =	simm.s32 @p2 $0x1082  }
0x22: {  	[simem:s7], [sflag:s8] =	dma.local @!p0 [hbm:s6], $0xF7A  }
0x23: {  	s9 =	sor.u32 $0xD0000000, s2;
	s6 =	simm.s32 $0x108;
	_ =	swait.ge @!p0 [sflag:s8], $0x0  }
0x24: {  	s3 =	sadd.s32 $0x88, s3;
	s6 =	simm.s32 @!p1 $0x1082;
	[sflag:s4] =	ssyncset.s32 $0xFFFFF086  }
0x25: {  	[simem:s6], [sflag:s4] =	dma.local [hbm:s3], $0xF7A  }
0x26: {  	[smem:$0x3F99] =	sst s1;
	(tag) =	ssettag s2;
	_ =	strace s9  }
0x27: {  	s1 =	sld [smem:$0x3FA9]  }
0x28: {  	s2 =	sld [smem:$0x3FAA]  }
0x29: {  	s4 =	sld [smem:$0x3FAC]  }
0x2a: {  	p0 =	seq.s32 s5, $0x0;
	s5 =	sld [smem:$0x3FAD]  }
0x2b: {  	s6 =	sld [smem:$0x3FAE]  }
0x2c: {  	s7 =	sld [smem:$0x3FAF]  }
0x2d: {  	s3 =	simm.s32 $0x108;
	s8 =	sld [smem:$0x3FB0]  }
0x2e: {  	s3 =	simm.s32 @!p0 $0x1082;
	s9 =	sld [smem:$0x3FB1]  }
0x2f: {  	lr =	sadd.s32 s0, s3;
	s0 =	sld [smem:$0x3FA8]  }
0x30: {  	s3 =	sld [smem:$0x3FAB]  }
0x31: {  	[smem:$0x3FB4] =	sst s10  }
0x32: {  	s10 =	sld [smem:$0x3FB2];
	_ =	sdelay $0x3  }
0x33: {  	p0 =	seq.s32 s10, $0x1;
	s10 =	sld [smem:$0x3FB4];
	_ =	sdelay $0x3  }
0x34: {  	[smem:$0x3FB4] =	sst s10  }
0x35: {  	s10 =	sld [smem:$0x3FB3];
	_ =	sdelay $0x3  }
0x36: {  	p1 =	seq.s32 s10, $0x1;
	s10 =	sld [smem:$0x3FB4];
	_ =	sdelay $0x3  }
0x37: {  	[smem:$0x3FB4] =	sst s10  }
0x38: {  	s10 =	sld [smem:$0x3FB5]  }
0x39: {  	_ = 	snop;
	(pc) =	sbr.ind lr, $3  }
0x3a: {  	_ = 	snop  }
0x3b: {  	_ = 	snop  }
0x3c: {  	p2 =	seq.s32 s10, $0x1;
	s10 =	sld [smem:$0x3FB4]  }
0x3d: {  	_ =	shalt  }
0x3e: {  	_ =	shalt  }
0x3f: {  	_ =	shalt  }
0x40: {  	_ =	shalt  }
0x41: {  	_ =	shalt  }
0x42: {  	_ =	shalt  }
0x43: {  	_ =	shalt  }
0x44: {  	_ =	shalt  }
0x45: {  	_ =	shalt  }
0x46: {  	_ =	shalt  }
0x47: {  	_ =	shalt  }
0x48: {  	_ =	shalt  }
0x49: {  	_ =	shalt  }
0x4a: {  	_ =	shalt  }
0x4b: {  	_ =	shalt  }
0x4c: {  	_ =	shalt  }
0x4d: {  	_ =	shalt  }
0x4e: {  	_ =	shalt  }
0x4f: {  	_ =	shalt  }
0x50: {  	_ =	shalt  }
0x51: {  	_ =	shalt  }
0x52: {  	_ =	shalt  }
0x53: {  	_ =	shalt  }
0x54: {  	_ =	shalt  }
0x55: {  	_ =	shalt  }
0x56: {  	_ =	shalt  }
0x57: {  	_ =	shalt  }
0x58: {  	_ =	shalt  }
0x59: {  	_ =	shalt  }
0x5a: {  	_ =	shalt  }
0x5b: {  	_ =	shalt  }
0x5c: {  	_ =	shalt  }
0x5d: {  	_ =	shalt  }
0x5e: {  	_ =	shalt  }
0x5f: {  	_ =	shalt  }
0x60: {  	_ =	shalt  }
0x61: {  	_ =	shalt  }
0x62: {  	_ =	shalt  }
0x63: {  	_ =	shalt  }
0x64: {  	_ =	shalt  }
0x65: {  	_ =	shalt  }
0x66: {  	_ =	shalt  }
0x67: {  	_ =	shalt  }
0x68: {  	_ =	shalt  }
0x69: {  	_ =	shalt  }
0x6a: {  	_ =	shalt  }
0x6b: {  	_ =	shalt  }
0x6c: {  	_ =	shalt  }
0x6d: {  	_ =	shalt  }
0x6e: {  	_ =	shalt  }
0x6f: {  	_ =	shalt  }
0x70: {  	_ =	shalt  }
0x71: {  	_ =	shalt  }
0x72: {  	_ =	shalt  }
0x73: {  	_ =	shalt  }
0x74: {  	_ =	shalt  }
0x75: {  	_ =	shalt  }
0x76: {  	_ =	shalt  }
0x77: {  	_ =	shalt  }
0x78: {  	_ =	shalt  }
0x79: {  	_ =	shalt  }
0x7a: {  	_ =	shalt  }
0x7b: {  	_ =	shalt  }
0x7c: {  	_ =	shalt  }
0x7d: {  	_ =	shalt  }
0x7e: {  	_ =	shalt  }
0x7f: {  	_ =	shalt  }
0x80: {  	_ =	shalt  }
0x81: {  	_ =	shalt  }
0x82: {  	_ =	shalt  }
0x83: {  	_ =	shalt  }
0x84: {  	_ =	shalt  }
0x85: {  	_ =	shalt  }
0x86: {  	_ =	shalt  }
0x87: {  	_ =	shalt  }
.Lfunc_end0:
.L_simem_size_0:
called_computation_lowered:
.L_overlay_start_0:
0x88: {  	s2 =	sld [smem:$0x3FD9]  }
0x89: {  	s3 =	sld [smem:$0x3FFE];
	_ =	sdelay $0x1  }
0x8a: {  	s1 =	srdreg.scid  }
0x8b: {  	s0 =	sand.u32 $0x1, s1  }
0x8c: {  	s17 =	sshll.u32 s0, $0xA;
	s2 =	sadd.s32 s3, s2  }
0x8d: {  	s2 =	sadd.s32 s2, s17  }
0x8e: {  	[smem:$0x3FC0] =	sst s2  }
0x8f: {  	_ = 	snop  }
0x90: {  	s2 =	sld [smem:$0x3FD0];
	(tm) =	ssettm $0x1  }
0x91: {  	s18 =	sld [smem:$0x3FFB];
	_ =	sdelay $0x3  }
0x92: {  	_ =	strace s18  }
0x93: {  	s3 =	sld [smem:$0x3FFC];
	_ =	sdelay $0x3  }
0x94: {  	_ =	strace s3  }
0x95: {  	s3 =	sld [smem:$0x3FFD];
	_ =	sdelay $0x3  }
0x96: {  	_ =	strace s3  }
0x97: {  	_ =	strace $0x8FFFFFFF  }
0x98: {  	s19 =	sld [smem:$0x3FDB];
	_ =	sdelay $0x1  }
0x99: {  	s4 =	simm.s32 $_scs_section_size  }
0x9a: {  	s5 =	simm.s32 $_size__tile_overlayer_lowered;
	s6 =	simm.s32 $_tile_overlayer_lowered  }
0x9b: {  	s22 =	simm.s32 $0x1BFF;
	s21 =	sshll.u32 s6, $0x1;
	s3 =	sadd.s32 s4, s19  }
0x9c: {  	s7 =	simm.s32 $0x0;
	s20 =	sshll.u32 s5, $0x1;
	s5 =	sadd.s32 s21, s3  }
0x9d: {  	[timem:s7], [sflag:s22] =	dma.local [hbm:s5], s20  }
0x9e: {  	_ =	swait.ge [sflag:s22], s20  }
0x9f: {  	s4 =	ssub.s32 $0x0, s20;
	[sflag:s22] =	ssyncset.done $0x0  }
0xa0: {  	[sflag:s22] =	ssyncadd.s32 s4;
	_ =	sdelay $0x1  }
0xa1: {  	s23 =	simm.s32 $0x1B8B  }
0xa2: {  	_ =	swait.ge [sflag:s23], $0x1  }
0xa3: {  	[sflag:s23] =	ssyncset.done $0x0  }
0xa4: {  	s25 =	simm.s32 $0x1B8E;
	s24 =	sld [smem:$0x3FFE];
	[sflag:s23] =	ssyncadd.s32 $0xFFFFFFFF  }
0xa5: {  	s26 =	simm.s32 $execute0_lowered;
	[smem:$0x3FD2] =	sst s25  }
0xa6: {  	s5 =	sshll.u32 s26, $0x1;
	_ =	strace $0x80000046;
	[dreg:$0x1] =	wrdreg $0xFFFFFFFF  }
0xa7: {  	s28 =	simm.s32 $_size_execute0_lowered;
	s3 =	sadd.s32 s3, s5;
	[dreg:$0x0] =	wrdreg $0x0  }
0xa8: {  	s5 =	sshll.u32 s28, $0x1;
	[dreg:$0x2] =	wrdreg s3  }
0xa9: {  	[dreg:$0x3] =	wrdreg s5  }
0xaa: {  	[dreg:$0x4] =	wrdreg $0xC0  }
0xab: {  	_ =	task [dreg:s7], $0x5FFFF  }
0xac: {  	[dreg:$0x1] =	wrdreg $0xFFFFFFFF  }
0xad: {  	[dreg:$0x0] =	wrdreg $0x60  }
0xae: {  	[dreg:$0x2] =	wrdreg s24  }
0xaf: {  	[dreg:$0x3] =	wrdreg s2  }
0xb0: {  	[dreg:$0x4] =	wrdreg $0x28800  }
0xb1: {  	[dreg:$0x5] =	wrdreg $0x9  }
0xb2: {  	_ =	task.clear_ibuf [dreg:s7], $0x6FFFF;
	_ =	strace $0x90000046  }
0xb3: {  	s29 =	simm.s32 $0x9;
	_ =	strace $0x80000048  }
0xb4: {  	_ =	swait.ge [sflag:s29], $0x1  }
0xb5: {  	[sflag:s29] =	ssyncadd.s32 $0xFFFFFFFF  }
0xb6: {  	_ =	strace $0x90000048  }
0xb7: {  	_ =	sfence  }
0xb8: {  	s30 =	sld [smem:$0x0];
	_ =	sdelay $0x2  }
0xb9: {  	s31 =	sshll.u32 s1, $0xD;
	s1 =	sshrl.u32 s1, $0x2  }
0xba: {  	s3 =	sand.u32 $0x4000, s31;
	s1 =	sadd.s32 s1, s30  }
0xbb: {  	s0 =	sor.u32 s3, s0;
	s1 =	sshll.u32 s1, $0x11  }
0xbc: {  	s0 =	sor.u32 s1, s0  }
0xbd: {  	s0 =	sadd.s32 $0x8F2B, s0  }
0xbe: {  	[sflag:s0] =	ssyncadd.remote.s32 $0x1  }
0xbf: {  	_ =	sfence.sel $0xFFFF  }
0xc0: {  	[dreg:$0x0] =	wrdreg $0xFFFFFFFF;
	(pc) =	sbr.abs _section_cstart, $3  }
0xc1: {  	[dreg:$0x1] =	wrdreg $0xFFFFFFFF  }
0xc2: {  	_ =	task.clear_ibuf [dreg:s7], $0x2FFFF;
	_ =	strace $0x9FFFFFFF  }
0xc3: {  	(tm) =	ssettm $0x7FFFFFFF  }
tec
execute0_lowered:
.L_overlay_start_1:
0x0: {  	(tag) =	ssettag $0x1  }
0x1: {  	s6 =	rddreg [dreg:$0x0]  }
0x2: {  	s0 =	srdreg.scid;
	s1 =	rddreg [dreg:$0x1]  }
0x3: {  	s12 =	stileid.u32;
	s2 =	rddreg [dreg:$0x2];
	s3 =	simm.s32 $0x0  }
0x4: {  	s13 =	simm.s32 $0x1;
	s17 =	simm.s32 $0x0;
	s8 =	sand.u32 $0x1, s0  }
0x5: {  	[smem:$0x7FF] =	sst s3;
	s5 =	sadd.s32 $0xCA00, s6;
	p0 =	seq.s32 s12, $0x0  }
0x6: {  	s0 =	sshll.u32 s8, $0x4;
	s9 =	ssub.s32 $0x2, s8;
	p1 =	seq.s32 s8, $0x1  }
0x7: {  	s31 =	sor.u32 s8, s12;
	s4 =	sor.u32 s12, s0;
	s0 =	rddreg [dreg:$0x3]  }
0x8: {  	_ =	strace $0x80000047;
	s10 =	sshrl.u32 s9, $0x1;
	p0 =	por !p0, !p1  }
0x9: {  	p2 =	sne.s32 s31, $0x0;
	s4 =	smul.u32 $0x500, s4;
	s9 =	ssub.s32 s9, s10  }
0xa: {  	p1 =	por !p0, !p0;
	p0 =	sne.s32 s12, $0x0;
	s10 =	simm.s32 $0x2800  }
0xb: {  	s14 =	sshll.u32 @!p2 s12, $0x6;
	s12 =	simm.s32 $0x80;
	s15 =	sshrl.u32 @!p2 s2, $0x3  }
0xc: {  	s8 =	smax.u32 s9, $0x1;
	s9 =	simm.s32 $0x2;
	s11 =	sshrl.u32 @!p0 s2, $0x3  }
0xd: {  	s14 =	sor.u32 @!p2 $0x1C02, s14;
	s16 =	sshrl.u32 @p1 s2, $0x3;
	s7 =	sadd.s32 s4, s6  }
0xe: {  	s4 =	sadd.s32 $0xC400, s6;
	s6 =	sadd.s32 $0xD000, s6;
	s7 =	sadd.s32 $0x2400, s7  }
.LBB2_1:
0xf: {  	[tilespmem:s3], [sflag:$0x2] =	stream.linear.gather [hbm4b:s7+s3], $0x2800, $0x38;
	[tilespmem:$0x2AF8] =	vst v63  }
0x10: {  	_ =	swait.ge [sflag:s9], $0x2800  }
0x11: {  	[sflag:s9] =	ssyncset.done $0x0  }
0x12: {  	[sflag:s9] =	ssyncadd.s32 $0xFFFFD800  }
0x13: {  	[tilespmem:s10], [sflag:$0x2] =	stream.linear.gather [hbm4b:s1+s3], $0x80, $0x38;
	[tilespmem:$0x2AF8] =	vst v63  }
0x14: {  	_ =	swait.ge [sflag:s9], $0x80  }
0x15: {  	[sflag:s9] =	ssyncset.done $0x0  }
0x16: {  	s18 =	simm.s32 @!p0 $0x1C02;
	[sflag:s9] =	ssyncadd.s32 $0xFFFFFF80  }
0x17: {  	[spmem:s11], [sflag:s18] =	dma.local @!p0 [hbm:s4], $0x4F0  }
0x18: {  	s18 =	simm.s32 @!p0 $0x2  }
0x19: {  	_ =	swait.ge @!p0 [sflag:s18], $0x4F0  }
0x1a: {  	[sflag:s18] =	ssyncset.done @!p0 $0x0  }
0x1b: {  	[sflag:s18] =	ssyncadd.s32 @!p0 $0xFFFFFB10  }
0x1c: {  	s18 =	simm.s32 $0x0;
	[bflag:$0x0] =	sbarrier.arrive $0xFFFF  }
.LBB2_2:
0x1d: {  	p3 =	sne.s32 s18, $0x9E00  }
.Ltmp0:
0x1e: {  	_ = 	snop;
	(pc) =	sbr.rel @p3 .LBB2_2-.Ltmp0, $3  }
0x1f: {  	_ =	sdelay $0x1  }
0x20: {  	s19 =	sshra.s32 s18, $0x2;
	s18 =	sadd.s32 $0x200, s18  }
0x21: {  	[spmem:s2] =	stream.indirect.scatter.add.f32 [tilespmem:s10], [sflag:$0x1], $0x1, s19, s12, $0xb8;
	[tilespmem:$0x2AF8] =	vst v63  }
0x22: {  	_ =	swait.ge [sflag:s13], $0x80  }
0x23: {  	s18 =	simm.s32 $0x4F;
	[sflag:s13] =	ssyncset.done $0x0  }
.LBB2_4:
0x24: {  	p3 =	sne.s32 s18, $0x1;
	s18 =	sadd.s32 $0xFFFFFFFF, s18;
	[sflag:s13] =	ssyncadd.s32 $0xFFFFFF80  }
.Ltmp1:
0x25: {  	(pc) =	sbr.rel @p3 .LBB2_4-.Ltmp1, $3  }
0x26: {  	_ =	sdelay $0x1  }
0x27: {  	_ =	swait.ge [sflag:s13], $0x80  }
0x28: {  	[sflag:s13] =	ssyncset.done $0x0  }
0x29: {  	[sflag:s13] =	ssyncadd.s32 $0xFFFFFF80  }
0x2a: {  	s18 =	simm.s32 @!p2 $0x2;
	[bflag:$0x0] =	sbarrier.arrive $0xFFFF  }
0x2b: {  	[hbm:s5], [sflag:s14] =	dma.local @!p2 [spmem:s15], $0x4F0  }
0x2c: {  	_ =	swait.ge @!p2 [sflag:s18], $0x4F0  }
0x2d: {  	s17 =	sadd.s32 $0x1, s17;
	[sflag:s18] =	ssyncset.done @!p2 $0x0  }
0x2e: {  	p3 =	sne.s32 s17, s8;
	[sflag:s18] =	ssyncadd.s32 @!p2 $0xFFFFFB10;
	s18 =	simm.s32 @p1 $0x1C02  }
0x2f: {  	[hbm:s6], [sflag:s18] =	dma.local @p1 [spmem:s16], $0x4F0  }
.Ltmp2:
0x30: {  	_ = 	snop;
	(pc) =	sbr.rel @p3 .LBB2_1-.Ltmp2, $4  }
0x31: {  	s18 =	simm.s32 @p1 $0x2  }
0x32: {  	_ =	swait.ge @p1 [sflag:s18], $0x4F0  }
0x33: {  	[sflag:s18] =	ssyncset.done @p1 $0x0  }
0x34: {  	[sflag:s18] =	ssyncadd.s32 @p1 $0xFFFFFB10  }
0x35: {  	_ =	sfence.sel $0x180000  }
0x36: {  	[bflag:$0x0] =	sbarrier.arrive $0xFFFF  }
0x37: {  	_ =	strace $0x90000047  }
0x38: {  	s0 =	sadd.s32 @!p0 $0x100000, s0;
	[bflag:$0x2] =	sbarrier.arrive $0xFFFF  }
0x39: {  	[sflag:s0] =	ssyncadd.tile.s32 @!p0 $0x1;
	_ =	shalt  }
.Lfunc_end2:
_tile_overlayer_lowered:
.L_overlay_start_2:
0x3a: {  	(tag) =	ssettag $0x2  }
0x3b: {  	s0 =	rddreg [dreg:$0x0];
	s2 =	stileid.u32  }
0x3c: {  	s1 =	rddreg [dreg:$0x1];
	p0 =	sne.s32 s2, $0x0  }
0x3d: {  	s3 =	rddreg [dreg:$0x2];
	[bflag:$0x3] =	sbarrier.arrive $0xFFFF;
	s2 =	simm.s32 @!p0 $0x1C02  }
0x3e: {  	[timem:s3], [sflag:s2] =	dma.local @!p0 [hbm:s0], s1  }
0x3f: {  	s0 =	simm.s32 @!p0 $0x2  }
0x40: {  	_ =	swait.ge @!p0 [sflag:s0], s1  }
0x41: {  	s1 =	ssub.s32 @!p0 $0x0, s1;
	[sflag:s0] =	ssyncset.done @!p0 $0x0  }
0x42: {  	[sflag:s0] =	ssyncadd.s32 @!p0 s1  }
0x43: {  	[bflag:$0x3] =	sbarrier.arrive $0xFFFF  }
0x44: {  	_ =	shalt  }

// kernel: kernel.9.cloned.1.call-start
scs
__scs_entry_jumppad:
0x0: {  	(pc) =	sbr.rel $0x88, $3  }
0x1: {  	(tag) =	ssettag $0x0;
	lr =	simm.s32 $0x1  }
0x2: {  	[smem:$0x3F99] =	sst lr;
	_ =	strace $0xD0000000  }
0x3: {  	_ = 	snop  }
0x4: {  	_ = 	snop  }
0x5: {  	_ = 	snop  }
0x6: {  	_ = 	snop  }
0x7: {  	_ = 	snop  }
__scs_overlays_trampoline_lowered:
0x8: {  	[smem:$0x3FA8] =	sst s0  }
0x9: {  	[smem:$0x3FA9] =	sst s1  }
0xa: {  	[smem:$0x3FAA] =	sst s2  }
0xb: {  	[smem:$0x3FAB] =	sst s3  }
0xc: {  	[smem:$0x3FAC] =	sst s4  }
0xd: {  	[smem:$0x3FAD] =	sst s5  }
0xe: {  	[smem:$0x3FAE] =	sst s6  }
0xf: {  	[smem:$0x3FAF] =	sst s7  }
0x10: {  	[smem:$0x3FB0] =	sst s8  }
0x11: {  	[smem:$0x3FB1] =	sst s9;
	s0 =	simm.s32 @!p0 $0x0  }
0x12: {  	s1 =	sld [smem:$0x3F97];
	s0 =	simm.s32 @p0 $0x1  }
0x13: {  	[smem:$0x3FB2] =	sst s0;
	s0 =	simm.s32 @!p1 $0x0  }
0x14: {  	s2 =	sld [smem:$0x3F96];
	s0 =	simm.s32 @p1 $0x1  }
0x15: {  	[smem:$0x3FB3] =	sst s0;
	s0 =	simm.s32 @!p2 $0x0  }
0x16: {  	s3 =	sld [smem:$0x3FDB];
	s0 =	simm.s32 @p2 $0x1  }
0x17: {  	s4 =	simm.s32 $0x1BF5;
	[smem:$0x3FB5] =	sst s0  }
0x18: {  	s0 =	sld [smem:$0x3F98];
	_ =	swait.ge [sflag:s4], $0x0  }
0x19: {  	s7 =	sld [smem:$0x3F99]  }
0x1a: {  	s8 =	sadd.s32 $0xFFFFE003, lr  }
0x1b: {  	s9 =	sadd.s32 $0xFFFFFEF7, lr;
	s5 =	simm.s32 $0xFFFFFFFF;
	p2 =	slt.u32 s8, $0xFFFFF086  }
0x1c: {  	p1 =	slt.u32 s9, $0xF7A;
	s5 =	simm.s32 @!p2 $0x0  }
0x1d: {  	s5 =	simm.s32 @p1 $0x1;
	p0 =	seq.s32 s7, s2  }
0x1e: {  	s7 =	smul.u32 @!p0 $0xF7A, s2;
	p2 =	seq.s32 @!p0 s5, $0x0  }
0x1f: {  	s9 =	smul.u32 $0xF7A, s1;
	s8 =	simm.s32 @!p0 $0x1BF5;
	p2 =	por !p2, p0  }
0x20: {  	[sflag:s8] =	ssyncset.s32 @!p0 $0xFFFFF086;
	s6 =	sadd.s32 @!p0 s3, s7;
	s7 =	simm.s32 @!p0 $0x108  }
0x21: {  	s3 =	sadd.s32 s3, s9;
	s6 =	sadd.s32 @!p0 $0x88, s6;
	s7 =	simm.s32 @p2 $0x1082  }
0x22: {  	[simem:s7], [sflag:s8] =	dma.local @!p0 [hbm:s6], $0xF7A  }
0x23: {  	s9 =	sor.u32 $0xD0000000, s2;
	s6 =	simm.s32 $0x108;
	_ =	swait.ge @!p0 [sflag:s8], $0x0  }
0x24: {  	s3 =	sadd.s32 $0x88, s3;
	s6 =	simm.s32 @!p1 $0x1082;
	[sflag:s4] =	ssyncset.s32 $0xFFFFF086  }
0x25: {  	[simem:s6], [sflag:s4] =	dma.local [hbm:s3], $0xF7A  }
0x26: {  	[smem:$0x3F99] =	sst s1;
	(tag) =	ssettag s2;
	_ =	strace s9  }
0x27: {  	s1 =	sld [smem:$0x3FA9]  }
0x28: {  	s2 =	sld [smem:$0x3FAA]  }
0x29: {  	s4 =	sld [smem:$0x3FAC]  }
0x2a: {  	p0 =	seq.s32 s5, $0x0;
	s5 =	sld [smem:$0x3FAD]  }
0x2b: {  	s6 =	sld [smem:$0x3FAE]  }
0x2c: {  	s7 =	sld [smem:$0x3FAF]  }
0x2d: {  	s3 =	simm.s32 $0x108;
	s8 =	sld [smem:$0x3FB0]  }
0x2e: {  	s3 =	simm.s32 @!p0 $0x1082;
	s9 =	sld [smem:$0x3FB1]  }
0x2f: {  	lr =	sadd.s32 s0, s3;
	s0 =	sld [smem:$0x3FA8]  }
0x30: {  	s3 =	sld [smem:$0x3FAB]  }
0x31: {  	[smem:$0x3FB4] =	sst s10  }
0x32: {  	s10 =	sld [smem:$0x3FB2];
	_ =	sdelay $0x3  }
0x33: {  	p0 =	seq.s32 s10, $0x1;
	s10 =	sld [smem:$0x3FB4];
	_ =	sdelay $0x3  }
0x34: {  	[smem:$0x3FB4] =	sst s10  }
0x35: {  	s10 =	sld [smem:$0x3FB3];
	_ =	sdelay $0x3  }
0x36: {  	p1 =	seq.s32 s10, $0x1;
	s10 =	sld [smem:$0x3FB4];
	_ =	sdelay $0x3  }
0x37: {  	[smem:$0x3FB4] =	sst s10  }
0x38: {  	s10 =	sld [smem:$0x3FB5]  }
0x39: {  	_ = 	snop;
	(pc) =	sbr.ind lr, $3  }
0x3a: {  	_ = 	snop  }
0x3b: {  	_ = 	snop  }
0x3c: {  	p2 =	seq.s32 s10, $0x1;
	s10 =	sld [smem:$0x3FB4]  }
0x3d: {  	_ =	shalt  }
0x3e: {  	_ =	shalt  }
0x3f: {  	_ =	shalt  }
0x40: {  	_ =	shalt  }
0x41: {  	_ =	shalt  }
0x42: {  	_ =	shalt  }
0x43: {  	_ =	shalt  }
0x44: {  	_ =	shalt  }
0x45: {  	_ =	shalt  }
0x46: {  	_ =	shalt  }
0x47: {  	_ =	shalt  }
0x48: {  	_ =	shalt  }
0x49: {  	_ =	shalt  }
0x4a: {  	_ =	shalt  }
0x4b: {  	_ =	shalt  }
0x4c: {  	_ =	shalt  }
0x4d: {  	_ =	shalt  }
0x4e: {  	_ =	shalt  }
0x4f: {  	_ =	shalt  }
0x50: {  	_ =	shalt  }
0x51: {  	_ =	shalt  }
0x52: {  	_ =	shalt  }
0x53: {  	_ =	shalt  }
0x54: {  	_ =	shalt  }
0x55: {  	_ =	shalt  }
0x56: {  	_ =	shalt  }
0x57: {  	_ =	shalt  }
0x58: {  	_ =	shalt  }
0x59: {  	_ =	shalt  }
0x5a: {  	_ =	shalt  }
0x5b: {  	_ =	shalt  }
0x5c: {  	_ =	shalt  }
0x5d: {  	_ =	shalt  }
0x5e: {  	_ =	shalt  }
0x5f: {  	_ =	shalt  }
0x60: {  	_ =	shalt  }
0x61: {  	_ =	shalt  }
0x62: {  	_ =	shalt  }
0x63: {  	_ =	shalt  }
0x64: {  	_ =	shalt  }
0x65: {  	_ =	shalt  }
0x66: {  	_ =	shalt  }
0x67: {  	_ =	shalt  }
0x68: {  	_ =	shalt  }
0x69: {  	_ =	shalt  }
0x6a: {  	_ =	shalt  }
0x6b: {  	_ =	shalt  }
0x6c: {  	_ =	shalt  }
0x6d: {  	_ =	shalt  }
0x6e: {  	_ =	shalt  }
0x6f: {  	_ =	shalt  }
0x70: {  	_ =	shalt  }
0x71: {  	_ =	shalt  }
0x72: {  	_ =	shalt  }
0x73: {  	_ =	shalt  }
0x74: {  	_ =	shalt  }
0x75: {  	_ =	shalt  }
0x76: {  	_ =	shalt  }
0x77: {  	_ =	shalt  }
0x78: {  	_ =	shalt  }
0x79: {  	_ =	shalt  }
0x7a: {  	_ =	shalt  }
0x7b: {  	_ =	shalt  }
0x7c: {  	_ =	shalt  }
0x7d: {  	_ =	shalt  }
0x7e: {  	_ =	shalt  }
0x7f: {  	_ =	shalt  }
0x80: {  	_ =	shalt  }
0x81: {  	_ =	shalt  }
0x82: {  	_ =	shalt  }
0x83: {  	_ =	shalt  }
0x84: {  	_ =	shalt  }
0x85: {  	_ =	shalt  }
0x86: {  	_ =	shalt  }
0x87: {  	_ =	shalt  }
.Lfunc_end0:
.L_simem_size_0:
called_computation.1_lowered:
.L_overlay_start_0:
0x88: {  	s2 =	sld [smem:$0x3FD9]  }
0x89: {  	s3 =	sld [smem:$0x3FFE];
	_ =	sdelay $0x1  }
0x8a: {  	s1 =	srdreg.scid  }
0x8b: {  	s0 =	sand.u32 $0x1, s1  }
0x8c: {  	s16 =	sshll.u32 s0, $0xA;
	s2 =	sadd.s32 s3, s2  }
0x8d: {  	s2 =	sadd.s32 s2, s16  }
0x8e: {  	[smem:$0x3FC0] =	sst s2  }
0x8f: {  	_ = 	snop  }
0x90: {  	(tm) =	ssettm $0x1  }
0x91: {  	s17 =	sld [smem:$0x3FFB];
	_ =	sdelay $0x3  }
0x92: {  	_ =	strace s17  }
0x93: {  	s2 =	sld [smem:$0x3FFC];
	_ =	sdelay $0x3  }
0x94: {  	_ =	strace s2  }
0x95: {  	s2 =	sld [smem:$0x3FFD];
	_ =	sdelay $0x3  }
0x96: {  	_ =	strace s2  }
0x97: {  	_ =	strace $0x8FFFFFFF  }
0x98: {  	s18 =	sld [smem:$0x3FDB];
	_ =	sdelay $0x1  }
0x99: {  	s19 =	simm.s32 $_scs_section_size  }
0x9a: {  	s4 =	simm.s32 $_size__tile_overlayer_lowered;
	s5 =	simm.s32 $_tile_overlayer_lowered  }
0x9b: {  	s22 =	simm.s32 $0x1BFF;
	s21 =	sshll.u32 s5, $0x1;
	s2 =	sadd.s32 s19, s18  }
0x9c: {  	s6 =	simm.s32 $0x0;
	s20 =	sshll.u32 s4, $0x1;
	s4 =	sadd.s32 s21, s2  }
0x9d: {  	[timem:s6], [sflag:s22] =	dma.local [hbm:s4], s20  }
0x9e: {  	_ =	swait.ge [sflag:s22], s20  }
0x9f: {  	s3 =	ssub.s32 $0x0, s20;
	[sflag:s22] =	ssyncset.done $0x0  }
0xa0: {  	[sflag:s22] =	ssyncadd.s32 s3;
	_ =	sdelay $0x1  }
0xa1: {  	s23 =	simm.s32 $0x1B8B  }
0xa2: {  	_ =	swait.ge [sflag:s23], $0x1  }
0xa3: {  	[sflag:s23] =	ssyncset.done $0x0  }
0xa4: {  	s25 =	simm.s32 $0x1B8E;
	s24 =	sld [smem:$0x3FFE];
	[sflag:s23] =	ssyncadd.s32 $0xFFFFFFFF  }
0xa5: {  	s26 =	simm.s32 $execute0_lowered;
	[smem:$0x3FD2] =	sst s25  }
0xa6: {  	s4 =	sshll.u32 s26, $0x1;
	_ =	strace $0x80000049;
	[dreg:$0x1] =	wrdreg $0xFFFFFFFF  }
0xa7: {  	s28 =	simm.s32 $_size_execute0_lowered;
	s2 =	sadd.s32 s2, s4;
	[dreg:$0x0] =	wrdreg $0x0  }
0xa8: {  	s4 =	sshll.u32 s28, $0x1;
	[dreg:$0x2] =	wrdreg s2  }
0xa9: {  	[dreg:$0x3] =	wrdreg s4  }
0xaa: {  	[dreg:$0x4] =	wrdreg $0xC0  }
0xab: {  	_ =	task [dreg:s6], $0x5FFFF  }
0xac: {  	[dreg:$0x1] =	wrdreg $0xFFFFFFFF  }
0xad: {  	[dreg:$0x0] =	wrdreg $0x60  }
0xae: {  	[dreg:$0x2] =	wrdreg s24  }
0xaf: {  	[dreg:$0x3] =	wrdreg $0xA8000  }
0xb0: {  	[dreg:$0x4] =	wrdreg $0x9  }
0xb1: {  	_ =	task.clear_ibuf [dreg:s6], $0x5FFFF;
	_ =	strace $0x90000049  }
0xb2: {  	s29 =	simm.s32 $0x9;
	_ =	strace $0x8000004B  }
0xb3: {  	_ =	swait.ge [sflag:s29], $0x1  }
0xb4: {  	[sflag:s29] =	ssyncadd.s32 $0xFFFFFFFF  }
0xb5: {  	_ =	strace $0x9000004B  }
0xb6: {  	_ =	sfence  }
0xb7: {  	s30 =	sld [smem:$0x0];
	_ =	sdelay $0x2  }
0xb8: {  	s31 =	sshll.u32 s1, $0xD;
	s1 =	sshrl.u32 s1, $0x2  }
0xb9: {  	s3 =	sand.u32 $0x4000, s31;
	s1 =	sadd.s32 s1, s30  }
0xba: {  	s0 =	sor.u32 s3, s0;
	s1 =	sshll.u32 s1, $0x11  }
0xbb: {  	s0 =	sor.u32 s1, s0  }
0xbc: {  	s0 =	sadd.s32 $0x8F2B, s0  }
0xbd: {  	[sflag:s0] =	ssyncadd.remote.s32 $0x1  }
0xbe: {  	_ =	sfence.sel $0xFFFF  }
0xbf: {  	[dreg:$0x0] =	wrdreg $0xFFFFFFFF;
	(pc) =	sbr.abs _section_cstart, $3  }
0xc0: {  	[dreg:$0x1] =	wrdreg $0xFFFFFFFF  }
0xc1: {  	_ =	task.clear_ibuf [dreg:s6], $0x2FFFF;
	_ =	strace $0x9FFFFFFF  }
0xc2: {  	(tm) =	ssettm $0x7FFFFFFF  }
0xc3: {  	_ =	shalt  }
tec
execute0_lowered:
.L_overlay_start_1:
0x0: {  	(tag) =	ssettag $0x1  }
0x1: {  	s0 =	rddreg [dreg:$0x0];
	s1 =	srdreg.scid  }
0x2: {  	s2 =	rddreg [dreg:$0x1];
	s10 =	stileid.u32  }
0x3: {  	s3 =	simm.s32 $0x0;
	s1 =	sand.u32 $0x1, s1;
	s6 =	smul.u32 $0x13C00, s10  }
0x4: {  	s28 =	simm.s32 $0x6800;
	s29 =	simm.s32 $0x180;
	s5 =	smul.u32 $0x13C000, s1  }
0x5: {  	s30 =	simm.s32 $0x8800;
	s31 =	simm.s32 $0x1;
	s8 =	smul.u32 $0x4F000, s10  }
0x6: {  	s11 =	simm.s32 $0x2700;
	s4 =	sadd.s32 $0x21600, s0;
	s6 =	sadd.s32 s6, s5  }
0x7: {  	s8 =	sshrl.u32 s8, $0x2;
	s5 =	sadd.s32 $0xD600, s0;
	s7 =	sshrl.u32 s6, $0x3  }
0x8: {  	s6 =	sadd.s32 $0x5CE00, s0;
	s0 =	sadd.s32 s7, s0;
	s7 =	sadd.s32 s8, s2  }
0x9: {  	s12 =	simm.s32 $0x2780;
	[smem:$0x7FF] =	sst s3;
	s8 =	sadd.s32 $0x2000, s7  }
0xa: {  	_ =	strace $0x8000004A;
	s19 =	sadd.s32 $0x4000, s7;
	[dreg:$0x3] =	wrdreg s8  }
0xb: {  	s18 =	ssub.s32 $0x2, s1;
	s20 =	sadd.s32 $0x6000, s7;
	[dreg:$0x4] =	wrdreg s19  }
0xc: {  	s1 =	sshll.u32 s1, $0x4;
	s21 =	sadd.s32 $0x8000, s7;
	[dreg:$0x5] =	wrdreg s20  }
0xd: {  	s9 =	sshrl.u32 s18, $0x1;
	s22 =	sadd.s32 $0xA000, s7;
	[dreg:$0x6] =	wrdreg s21  }
0xe: {  	s1 =	sor.u32 s10, s1;
	s23 =	sadd.s32 $0xC000, s7;
	[dreg:$0x7] =	wrdreg s22  }
0xf: {  	s10 =	simm.s32 $0x2680;
	s24 =	sadd.s32 $0xE000, s7;
	[dreg:$0x8] =	wrdreg s23  }
0x10: {  	s9 =	ssub.s32 s18, s9;
	s25 =	sadd.s32 $0x10000, s7;
	[dreg:$0x9] =	wrdreg s24  }
0x11: {  	s17 =	smul.u32 $0xA0, s1;
	s26 =	sadd.s32 $0x12000, s7;
	[dreg:$0xa] =	wrdreg s25  }
0x12: {  	s1 =	simm.s32 $0x3;
	s0 =	sadd.s32 $0x84000, s0;
	[dreg:$0xb] =	wrdreg s26  }
0x13: {  	[dreg:$0xc] =	wrdreg s0;
	s19 =	smax.u32 s9, $0x1;
	s20 =	simm.s32 $0x2800  }
0x14: {  	s21 =	simm.s32 $0x5;
	s22 =	simm.s32 $0x1400;
	s23 =	simm.s32 $0x40  }
0x15: {  	s24 =	simm.s32 $0x80;
	s25 =	simm.s32 $0x4800;
	s26 =	simm.s32 $0x100  }
0x16: {  	v0 =	vimm.f32 $0.0e+00;
	s0 =	simm.s32 $0x2;
	s8 =	simm.s32 $0x4;
	s9 =	simm.s32 $0x2600  }
.LBB2_1:
0x17: {  	s13 =	simm.s32 $0x0;
	s14 =	simm.s32 $0x200  }
.LBB2_2:
0x18: {  	p0 =	sne.s32 s14, $0x7E00;
	[tilespmem:s13+$0x2870] =	vst v0  }
0x19: {  	[tilespmem:s13+$0x2800] =	vst v0  }
0x1a: {  	[tilespmem:s13+$0x2810] =	vst v0  }
.Ltmp0:
0x1b: {  	[tilespmem:s13+$0x2820] =	vst v0;
	(pc) =	sbr.rel @p0 .LBB2_2-.Ltmp0, $4  }
0x1c: {  	[tilespmem:s13+$0x2830] =	vst v0  }
0x1d: {  	[tilespmem:s13+$0x2840] =	vst v0  }
0x1e: {  	[tilespmem:s13+$0x2850] =	vst v0  }
0x1f: {  	[tilespmem:s13+$0x2860] =	vst v0;
	s13 =	sshra.s32 s14, $0x2;
	s14 =	sadd.s32 $0x200, s14  }
0x20: {  	[tilespmem:s13+$0x2870] =	vst v0  }
0x21: {  	[tilespmem:s13+$0x2800] =	vst v0  }
0x22: {  	[tilespmem:s13+$0x2810] =	vst v0  }
0x23: {  	[tilespmem:s13+$0x2820] =	vst v0  }
0x24: {  	[tilespmem:s13+$0x2830] =	vst v0  }
0x25: {  	[tilespmem:s13+$0x2840] =	vst v0  }
0x26: {  	[tilespmem:s13+$0x2850] =	vst v0  }
0x27: {  	[tilespmem:s13+$0x2860] =	vst v0  }
0x28: {  	[spmem:s7] =	stream.linear.scatter [tilespmem:s20], [sflag:$0x5], $0x2000, $0x38;
	[tilespmem:$0x1E400] =	vst v63  }
0x29: {  	_ =	swait.ge [sflag:s21], $0x2000  }
0x2a: {  	[sflag:s21] =	ssyncset.done $0x0  }
0x2b: {  	s18 =	rddreg [dreg:$0x3];
	[sflag:s21] =	ssyncadd.s32 $0xFFFFE000  }
0x2c: {  	[spmem:s18] =	stream.linear.scatter [tilespmem:s20], [sflag:$0x5], $0x2000, $0x38;
	[tilespmem:$0x1E400] =	vst v63  }
0x2d: {  	_ =	swait.ge [sflag:s21], $0x2000  }
0x2e: {  	[sflag:s21] =	ssyncset.done $0x0  }
0x2f: {  	s14 =	rddreg [dreg:$0x4];
	[sflag:s21] =	ssyncadd.s32 $0xFFFFE000  }
0x30: {  	[spmem:s14] =	stream.linear.scatter [tilespmem:s20], [sflag:$0x5], $0x2000, $0x38;
	[tilespmem:$0x1E400] =	vst v63  }
0x31: {  	_ =	swait.ge [sflag:s21], $0x2000  }
0x32: {  	[sflag:s21] =	ssyncset.done $0x0  }
0x33: {  	s15 =	rddreg [dreg:$0x5];
	[sflag:s21] =	ssyncadd.s32 $0xFFFFE000  }
0x34: {  	[spmem:s15] =	stream.linear.scatter [tilespmem:s20], [sflag:$0x5], $0x2000, $0x38;
	[tilespmem:$0x1E400] =	vst v63  }
0x35: {  	_ =	swait.ge [sflag:s21], $0x2000  }
0x36: {  	[sflag:s21] =	ssyncset.done $0x0  }
0x37: {  	s16 =	rddreg [dreg:$0x6];
	[sflag:s21] =	ssyncadd.s32 $0xFFFFE000  }
0x38: {  	[spmem:s16] =	stream.linear.scatter [tilespmem:s20], [sflag:$0x5], $0x2000, $0x38;
	[tilespmem:$0x1E400] =	vst v63  }
0x39: {  	_ =	swait.ge [sflag:s21], $0x2000  }
0x3a: {  	[sflag:s21] =	ssyncset.done $0x0  }
0x3b: {  	s18 =	rddreg [dreg:$0x7];
	[sflag:s21] =	ssyncadd.s32 $0xFFFFE000  }
0x3c: {  	[spmem:s18] =	stream.linear.scatter [tilespmem:s20], [sflag:$0x5], $0x2000, $0x38;
	[tilespmem:$0x1E400] =	vst v63  }
0x3d: {  	_ =	swait.ge [sflag:s21], $0x2000  }
0x3e: {  	[sflag:s21] =	ssyncset.done $0x0  }
0x3f: {  	s14 =	rddreg [dreg:$0x8];
	[sflag:s21] =	ssyncadd.s32 $0xFFFFE000  }
0x40: {  	[spmem:s14] =	stream.linear.scatter [tilespmem:s20], [sflag:$0x5], $0x2000, $0x38;
	[tilespmem:$0x1E400] =	vst v63  }
0x41: {  	_ =	swait.ge [sflag:s21], $0x2000  }
0x42: {  	[sflag:s21] =	ssyncset.done $0x0  }
0x43: {  	s15 =	rddreg [dreg:$0x9];
	[sflag:s21] =	ssyncadd.s32 $0xFFFFE000  }
0x44: {  	[spmem:s15] =	stream.linear.scatter [tilespmem:s20], [sflag:$0x5], $0x2000, $0x38;
	[tilespmem:$0x1E400] =	vst v63  }
0x45: {  	_ =	swait.ge [sflag:s21], $0x2000  }
0x46: {  	[sflag:s21] =	ssyncset.done $0x0  }
0x47: {  	s16 =	rddreg [dreg:$0xa];
	[sflag:s21] =	ssyncadd.s32 $0xFFFFE000  }
0x48: {  	[spmem:s16] =	stream.linear.scatter [tilespmem:s20], [sflag:$0x5], $0x2000, $0x38;
	[tilespmem:$0x1E400] =	vst v63  }
0x49: {  	_ =	swait.ge [sflag:s21], $0x2000  }
0x4a: {  	[sflag:s21] =	ssyncset.done $0x0  }
0x4b: {  	s18 =	rddreg [dreg:$0xb];
	[sflag:s21] =	ssyncadd.s32 $0xFFFFE000  }
0x4c: {  	[spmem:s18] =	stream.linear.scatter [tilespmem:s20], [sflag:$0x5], $0x1C00, $0x38;
	[tilespmem:$0x1E400] =	vst v63  }
0x4d: {  	_ =	swait.ge [sflag:s21], $0x1C00  }
0x4e: {  	[sflag:s21] =	ssyncset.done $0x0  }
0x4f: {  	[sflag:s21] =	ssyncadd.s32 $0xFFFFE400  }
0x50: {  	s13 =	simm.s32 $0x0;
	s14 =	simm.s32 $0x0;
	[bflag:$0x0] =	sbarrier.arrive $0xFFFF  }
.LBB2_4:
0x51: {  	s15 =	smul.u32 $0x28, s14;
	_ =	sdelay $0x1  }
0x52: {  	s15 =	sadd.s32 s17, s15  }
0x53: {  	s15 =	sshll.u32 s15, $0x4  }
0x54: {  	s16 =	sadd.s32 s4, s15  }
0x55: {  	[tilespmem:s13], [sflag:$0x5] =	stream.linear.gather [hbm4b:s16+s13], $0x1400, $0x38;
	[tilespmem:$0x1E400] =	vst v63  }
0x56: {  	_ =	swait.ge [sflag:s21], $0x1400  }
0x57: {  	[sflag:s21] =	ssyncset.done $0x0  }
0x58: {  	s15 =	sadd.s32 s5, s15;
	[sflag:s21] =	ssyncadd.s32 $0xFFFFEC00  }
0x59: {  	[tilespmem:s22], [sflag:$0x5] =	stream.linear.gather [hbm4b:s15+s13], $0x1400, $0x38;
	[tilespmem:$0x1E400] =	vst v63  }
0x5a: {  	_ =	swait.ge [sflag:s21], $0x1400  }
0x5b: {  	[sflag:s21] =	ssyncset.done $0x0  }
0x5c: {  	[sflag:s21] =	ssyncadd.s32 $0xFFFFEC00  }
0x5d: {  	[tilespmem:s20], [sflag:$0x1] =	stream.indirect.gather [hbm4b:s6+s23], $0x80, s13, s23, $0xb8;
	[tilespmem:$0x1E400] =	vst v63  }
0x5e: {  	_ = 	snop  }
0x5f: {  	[tilespmem:s25], [sflag:$0x2] =	stream.indirect.gather [hbm4b:s6+s23], $0x80, s24, s23, $0xb8;
	[tilespmem:$0x1E400] =	vst v63  }
0x60: {  	_ = 	snop  }
0x61: {  	[tilespmem:s28], [sflag:$0x3] =	stream.indirect.gather [hbm4b:s6+s23], $0x80, s26, s23, $0xb8;
	[tilespmem:$0x1E400] =	vst v63  }
0x62: {  	_ = 	snop  }
0x63: {  	[tilespmem:s30], [sflag:$0x4] =	stream.indirect.gather [hbm4b:s6+s23], $0x80, s29, s23, $0xb8;
	[tilespmem:$0x1E400] =	vst v63  }
0x64: {  	_ =	swait.ge [sflag:s31], $0x2000  }
0x65: {  	[sflag:s31] =	ssyncset.done $0x0  }
0x66: {  	s18 =	simm.s32 $0x1400;
	[sflag:s31] =	ssyncadd.s32 $0xFFFFE000  }
0x67: {  	[spmem:s2] =	stream.indirect.scatter.add.f32 [tilespmem:s20], [sflag:$0x5], $0x80, s18, s23, $0xb8;
	[tilespmem:$0x1E400] =	vst v63  }
0x68: {  	_ =	swait.ge [sflag:s21], $0x2000  }
0x69: {  	[sflag:s21] =	ssyncset.done $0x0  }
0x6a: {  	s16 =	simm.s32 $0x200;
	[sflag:s21] =	ssyncadd.s32 $0xFFFFE000  }
0x6b: {  	[tilespmem:s20], [sflag:$0x1] =	stream.indirect.gather [hbm4b:s6+s23], $0x80, s16, s23, $0xb8;
	[tilespmem:$0x1E400] =	vst v63  }
0x6c: {  	_ =	swait.ge [sflag:s0], $0x2000  }
0x6d: {  	[sflag:s0] =	ssyncset.done $0x0  }
0x6e: {  	s18 =	simm.s32 $0x1480;
	[sflag:s0] =	ssyncadd.s32 $0xFFFFE000  }
0x6f: {  	[spmem:s2] =	stream.indirect.scatter.add.f32 [tilespmem:s25], [sflag:$0x5], $0x80, s18, s23, $0xb8;
	[tilespmem:$0x1E400] =	vst v63  }
0x70: {  	_ =	swait.ge [sflag:s21], $0x2000  }
0x71: {  	[sflag:s21] =	ssyncset.done $0x0  }
0x72: {  	s16 =	simm.s32 $0x280;
	[sflag:s21] =	ssyncadd.s32 $0xFFFFE000  }
0x73: {  	[tilespmem:s25], [sflag:$0x2] =	stream.indirect.gather [hbm4b:s6+s23], $0x80, s16, s23, $0xb8;
	[tilespmem:$0x1E400] =	vst v63  }
0x74: {  	_ =	swait.ge [sflag:s1], $0x2000  }
0x75: {  	[sflag:s1] =	ssyncset.done $0x0  }
0x76: {  	s18 =	simm.s32 $0x1500;
	[sflag:s1] =	ssyncadd.s32 $0xFFFFE000  }
0x77: {  	[spmem:s2] =	stream.indirect.scatter.add.f32 [tilespmem:s28], [sflag:$0x5], $0x80, s18, s23, $0xb8;
	[tilespmem:$0x1E400] =	vst v63  }
0x78: {  	_ =	swait.ge [sflag:s21], $0x2000  }
0x79: {  	[sflag:s21] =	ssyncset.done $0x0  }
0x7a: {  	s16 =	simm.s32 $0x300;
	[sflag:s21] =	ssyncadd.s32 $0xFFFFE000  }
0x7b: {  	[tilespmem:s28], [sflag:$0x3] =	stream.indirect.gather [hbm4b:s6+s23], $0x80, s16, s23, $0xb8;
	[tilespmem:$0x1E400] =	vst v63  }
0x7c: {  	_ =	swait.ge [sflag:s8], $0x2000  }
0x7d: {  	[sflag:s8] =	ssyncset.done $0x0  }
0x7e: {  	s18 =	simm.s32 $0x1580;
	[sflag:s8] =	ssyncadd.s32 $0xFFFFE000  }
0x7f: {  	[spmem:s2] =	stream.indirect.scatter.add.f32 [tilespmem:s30], [sflag:$0x5], $0x80, s18, s23, $0xb8;
	[tilespmem:$0x1E400] =	vst v63  }
0x80: {  	_ =	swait.ge [sflag:s21], $0x2000  }
0x81: {  	[sflag:s21] =	ssyncset.done $0x0  }
0x82: {  	s15 =	simm.s32 $0x800;
	s16 =	simm.s32 $0x380;
	[sflag:s21] =	ssyncadd.s32 $0xFFFFE000  }
.LBB2_5:
0x83: {  	[tilespmem:s30], [sflag:$0x4] =	stream.indirect.gather [hbm4b:s6+s23], $0x80, s16, s23, $0xb8;
	[tilespmem:$0x1E400] =	vst v63  }
0x84: {  	s16 =	smov.u32 s15  }
0x85: {  	p0 =	sne.s32 s15, $0x4000;
	s15 =	sadd.s32 $0x800, s15;
	_ =	swait.ge [sflag:s31], $0x2000  }
0x86: {  	s16 =	sshra.s32 s16, $0x2;
	[sflag:s31] =	ssyncset.done $0x0  }
0x87: {  	s18 =	sadd.s32 $0x1400, s16;
	[sflag:s31] =	ssyncadd.s32 $0xFFFFE000  }
0x88: {  	[spmem:s2] =	stream.indirect.scatter.add.f32 [tilespmem:s20], [sflag:$0x5], $0x80, s18, s23, $0xb8;
	[tilespmem:$0x1E400] =	vst v63  }
0x89: {  	_ =	swait.ge [sflag:s21], $0x2000  }
0x8a: {  	[sflag:s21] =	ssyncset.done $0x0  }
0x8b: {  	s18 =	sadd.s32 $0x200, s16;
	[sflag:s21] =	ssyncadd.s32 $0xFFFFE000  }
0x8c: {  	[tilespmem:s20], [sflag:$0x1] =	stream.indirect.gather [hbm4b:s6+s23], $0x80, s18, s23, $0xb8;
	[tilespmem:$0x1E400] =	vst v63  }
0x8d: {  	_ =	swait.ge [sflag:s0], $0x2000  }
0x8e: {  	[sflag:s0] =	ssyncset.done $0x0  }
0x8f: {  	s18 =	sadd.s32 $0x1480, s16;
	[sflag:s0] =	ssyncadd.s32 $0xFFFFE000  }
0x90: {  	[spmem:s2] =	stream.indirect.scatter.add.f32 [tilespmem:s25], [sflag:$0x5], $0x80, s18, s23, $0xb8;
	[tilespmem:$0x1E400] =	vst v63  }
0x91: {  	_ =	swait.ge [sflag:s21], $0x2000  }
0x92: {  	[sflag:s21] =	ssyncset.done $0x0  }
0x93: {  	s18 =	sadd.s32 $0x280, s16;
	[sflag:s21] =	ssyncadd.s32 $0xFFFFE000  }
0x94: {  	[tilespmem:s25], [sflag:$0x2] =	stream.indirect.gather [hbm4b:s6+s23], $0x80, s18, s23, $0xb8;
	[tilespmem:$0x1E400] =	vst v63  }
0x95: {  	_ =	swait.ge [sflag:s1], $0x2000  }
0x96: {  	[sflag:s1] =	ssyncset.done $0x0  }
0x97: {  	s18 =	sadd.s32 $0x1500, s16;
	[sflag:s1] =	ssyncadd.s32 $0xFFFFE000  }
0x98: {  	[spmem:s2] =	stream.indirect.scatter.add.f32 [tilespmem:s28], [sflag:$0x5], $0x80, s18, s23, $0xb8;
	[tilespmem:$0x1E400] =	vst v63  }
0x99: {  	_ =	swait.ge [sflag:s21], $0x2000  }
0x9a: {  	[sflag:s21] =	ssyncset.done $0x0  }
0x9b: {  	s18 =	sadd.s32 $0x300, s16;
	[sflag:s21] =	ssyncadd.s32 $0xFFFFE000  }
0x9c: {  	[tilespmem:s28], [sflag:$0x3] =	stream.indirect.gather [hbm4b:s6+s23], $0x80, s18, s23, $0xb8;
	[tilespmem:$0x1E400] =	vst v63  }
0x9d: {  	_ =	swait.ge [sflag:s8], $0x2000  }
0x9e: {  	[sflag:s8] =	ssyncset.done $0x0  }
.Ltmp1:
0x9f: {  	s18 =	sadd.s32 $0x1580, s16;
	[sflag:s8] =	ssyncadd.s32 $0xFFFFE000;
	(pc) =	sbr.rel @p0 .LBB2_5-.Ltmp1, $4  }
0xa0: {  	[spmem:s2] =	stream.indirect.scatter.add.f32 [tilespmem:s30], [sflag:$0x5], $0x80, s18, s23, $0xb8;
	[tilespmem:$0x1E400] =	vst v63  }
0xa1: {  	_ =	swait.ge [sflag:s21], $0x2000  }
0xa2: {  	[sflag:s21] =	ssyncset.done $0x0  }
0xa3: {  	s16 =	sadd.s32 $0x380, s16;
	[sflag:s21] =	ssyncadd.s32 $0xFFFFE000  }
0xa4: {  	[tilespmem:s30], [sflag:$0x4] =	stream.indirect.gather [hbm4b:s6+s23], $0x80, s16, s23, $0xb8;
	[tilespmem:$0x1E400] =	vst v63  }
0xa5: {  	_ =	swait.ge [sflag:s31], $0x2000  }
0xa6: {  	[sflag:s31] =	ssyncset.done $0x0  }
0xa7: {  	[sflag:s31] =	ssyncadd.s32 $0xFFFFE000  }
0xa8: {  	[spmem:s2] =	stream.indirect.scatter.add.f32 [tilespmem:s20], [sflag:$0x5], $0x80, s9, s23, $0xb8;
	[tilespmem:$0x1E400] =	vst v63  }
0xa9: {  	_ =	swait.ge [sflag:s21], $0x2000  }
0xaa: {  	[sflag:s21] =	ssyncset.done $0x0  }
0xab: {  	[sflag:s21] =	ssyncadd.s32 $0xFFFFE000  }
0xac: {  	_ =	swait.ge [sflag:s0], $0x2000  }
0xad: {  	[sflag:s0] =	ssyncset.done $0x0  }
0xae: {  	[sflag:s0] =	ssyncadd.s32 $0xFFFFE000  }
0xaf: {  	[spmem:s2] =	stream.indirect.scatter.add.f32 [tilespmem:s25], [sflag:$0x5], $0x80, s10, s23, $0xb8;
	[tilespmem:$0x1E400] =	vst v63  }
0xb0: {  	_ =	swait.ge [sflag:s21], $0x2000  }
0xb1: {  	[sflag:s21] =	ssyncset.done $0x0  }
0xb2: {  	[sflag:s21] =	ssyncadd.s32 $0xFFFFE000  }
0xb3: {  	_ =	swait.ge [sflag:s1], $0x2000  }
0xb4: {  	[sflag:s1] =	ssyncset.done $0x0  }
0xb5: {  	[sflag:s1] =	ssyncadd.s32 $0xFFFFE000  }
0xb6: {  	[spmem:s2] =	stream.indirect.scatter.add.f32 [tilespmem:s28], [sflag:$0x5], $0x80, s11, s23, $0xb8;
	[tilespmem:$0x1E400] =	vst v63  }
0xb7: {  	_ =	swait.ge [sflag:s21], $0x2000  }
0xb8: {  	[sflag:s21] =	ssyncset.done $0x0  }
0xb9: {  	[sflag:s21] =	ssyncadd.s32 $0xFFFFE000  }
0xba: {  	s14 =	sadd.s32 $0x1, s14;
	_ =	swait.ge [sflag:s8], $0x2000  }
0xbb: {  	p0 =	sne.s32 s14, $0x4;
	[sflag:s8] =	ssyncset.done $0x0  }
.Ltmp2:
0xbc: {  	[sflag:s8] =	ssyncadd.s32 $0xFFFFE000;
	(pc) =	sbr.rel @p0 .LBB2_4-.Ltmp2, $4  }
0xbd: {  	[spmem:s2] =	stream.indirect.scatter.add.f32 [tilespmem:s30], [sflag:$0x5], $0x80, s12, s23, $0xb8;
	[tilespmem:$0x1E400] =	vst v63  }
0xbe: {  	_ =	swait.ge [sflag:s21], $0x2000  }
0xbf: {  	[sflag:s21] =	ssyncset.done $0x0  }
0xc0: {  	[sflag:s21] =	ssyncadd.s32 $0xFFFFE000  }
0xc1: {  	s13 =	stileid.u32;
	[bflag:$0x0] =	sbarrier.arrive $0xFFFF;
	s3 =	sadd.s32 $0x1, s3  }
0xc2: {  	s14 =	sshrl.u32 s7, $0x3;
	s13 =	sshll.u32 s13, $0x6;
	p0 =	sne.s32 s3, s19  }
.Ltmp3:
0xc3: {  	s15 =	rddreg [dreg:$0xc];
	s13 =	sor.u32 $0x1C05, s13;
	(pc) =	sbr.rel @p0 .LBB2_1-.Ltmp3, $4  }
0xc4: {  	[hbm:s15], [sflag:s13] =	dma.local [spmem:s14], $0x2780  }
0xc5: {  	_ =	swait.ge [sflag:s21], $0x2780  }
0xc6: {  	[sflag:s21] =	ssyncset.done $0x0  }
0xc7: {  	[sflag:s21] =	ssyncadd.s32 $0xFFFFD880  }
0xc8: {  	_ =	sfence.sel $0x180000  }
0xc9: {  	[bflag:$0x0] =	sbarrier.arrive $0xFFFF  }
0xca: {  	_ =	strace $0x9000004A  }
0xcb: {  	s0 =	stileid.u32;
	[bflag:$0x2] =	sbarrier.arrive $0xFFFF  }
0xcc: {  	p0 =	sne.s32 s0, $0x0;
	s0 =	rddreg [dreg:$0x2]  }
0xcd: {  	s0 =	sadd.s32 @!p0 $0x100000, s0  }
0xce: {  	[sflag:s0] =	ssyncadd.tile.s32 @!p0 $0x1;
	_ =	shalt  }
.Lfunc_end2:
_tile_overlayer_lowered:
.L_overlay_start_2:
0xcf: {  	(tag) =	ssettag $0x2  }
0xd0: {  	s0 =	rddreg [dreg:$0x0];
	s2 =	stileid.u32  }
0xd1: {  	s1 =	rddreg [dreg:$0x1];
	p0 =	sne.s32 s2, $0x0  }
0xd2: {  	s3 =	rddreg [dreg:$0x2];
	[bflag:$0x3] =	sbarrier.arrive $0xFFFF;
	s2 =	simm.s32 @!p0 $0x1C05  }
0xd3: {  	[timem:s3], [sflag:s2] =	dma.local @!p0 [hbm:s0], s1  }
0xd4: {  	s0 =	simm.s32 @!p0 $0x5  }
0xd5: {  	_ =	swait.ge @!p0 [sflag:s0], s1  }
0xd6: {  	s1 =	ssub.s32 @!p0 $0x0, s1;
	[sflag:s0] =	ssyncset.done @!p0 $0x0  }
0xd7: {  	[sflag:s0] =	ssyncadd.s32 @!p0 s1  }
0xd8: {  	[bflag:$0x3] =	sbarrier.arrive $0xFFFF  }
0xd9: {  	_ =	shalt  }

</sc_bundles>
